<compile_context>
chip_gen: v7x
topology: tpu7x:2x2x1
jax: 0.10.2.dev20260603
libtpu: 0.0.44.dev20260713+nightly
codegen_flags: <defaults>
</compile_context>

<pallas_src>
import functools

import jax
import jax.numpy as jnp
import numpy as np
from jax import lax
from jax.experimental import pallas as pl
from jax.experimental.pallas import tpu as pltpu
from jax.experimental.pallas import tpu_sc as plsc

E = 8
D = 768
FF = 768
ALPHA = 1.702
LIMIT = 7.0
T = 2048
BK = 256
NB = 2 * T // BK + E
NPAD = NB * BK
NW = 32

_HI = jax.lax.Precision.HIGHEST

_SEL_NP = np.zeros((2 * FF, FF), dtype=np.float32)
_SEL_NP[::2, :] = np.eye(FF, dtype=np.float32)
_SEL = _SEL_NP.astype(jnp.bfloat16)

_L512 = np.tril(np.ones((512, 512), dtype=np.float32))
_U8 = (np.arange(E)[:, None] < np.arange(E)[None, :]).astype(np.float32)


def _plan_body(hs_ref, rwt_ref, rb_ref, l512_ref, u8_ref,
               scores_ref, gidx_ref, wrow_ref, pos1_ref, pos2_ref, bexp_ref):
    x = hs_ref[...]
    logits = jnp.dot(x, rwt_ref[...], preferred_element_type=jnp.float32)
    logits = logits + rb_ref[...]
    col = jax.lax.broadcasted_iota(jnp.int32, logits.shape, 1)
    m1 = jnp.max(logits, axis=1, keepdims=True)
    a1 = jnp.min(jnp.where(logits == m1, col, E), axis=1, keepdims=True)
    rest = jnp.where(col == a1, -jnp.inf, logits)
    m2 = jnp.max(rest, axis=1, keepdims=True)
    a2 = jnp.min(jnp.where(rest == m2, col, E), axis=1, keepdims=True)
    p1 = 1.0 / (1.0 + jnp.exp(m2 - m1))
    p2 = 1.0 - p1
    scores_ref[...] = jnp.where(col == a1, p1, jnp.where(col == a2, p2, 0.0))

    keys = jnp.concatenate([a1, a2], axis=0)
    probs = jnp.concatenate([p1, p2], axis=0)
    tokf = (jax.lax.broadcasted_iota(jnp.int32, (2 * T, 1), 0) % T
            ).astype(jnp.float32)

    erow = jax.lax.broadcasted_iota(jnp.int32, (2 * T, E), 1)
    onehot = (keys == erow).astype(jnp.float32)
    counts = jnp.sum(onehot, axis=0, keepdims=True)
    cnt_pad = jnp.floor((counts + (BK - 1)) * (1.0 / BK)) * BK
    off = jax.lax.dot_general(cnt_pad, u8_ref[...], (((1,), (0,)), ((), ())),
                              precision=_HI,
                              preferred_element_type=jnp.float32)

    l512 = l512_ref[...]
    run = jnp.zeros((1, E), jnp.float32)
    cum_chunks = []
    for c in range(2 * T // 512):
        blk = onehot[c * 512:(c + 1) * 512, :]
        cumblk = jax.lax.dot_general(l512, blk, (((1,), (0,)), ((), ())),
                                     precision=_HI,
                                     preferred_element_type=jnp.float32)
        cum_chunks.append(cumblk + run)
        run = run + jnp.sum(blk, axis=0, keepdims=True)
    cum = jnp.concatenate(cum_chunks, axis=0)

    rank = jnp.sum(onehot * cum, axis=1, keepdims=True)
    offg = jnp.sum(onehot * off, axis=1, keepdims=True)
    pos = offg + rank - 1.0
    pos1_ref[...] = pos[:T].astype(jnp.int32)
    pos2_ref[...] = pos[T:].astype(jnp.int32)

    base_iota = jax.lax.broadcasted_iota(jnp.int32, (2 * T, 512), 1)

    def _scatter_chunk(r, carry):
        rcol = (base_iota + r * 512).astype(jnp.float32)
        m = pos == rcol
        gidx_ref[r, :] = jnp.max(jnp.where(m, tokf, 0.0), axis=0).astype(jnp.int32)
        wrow_ref[r, :] = jnp.max(jnp.where(m, probs, 0.0), axis=0)
        return carry

    jax.lax.fori_loop(0, NPAD // 512, _scatter_chunk, 0)

    offb = jnp.broadcast_to(off, (128, E))
    bio = (jax.lax.broadcasted_iota(jnp.int32, (128, E), 0) * BK
           ).astype(jnp.float32)
    bexp_ref[...] = (jnp.sum((offb <= bio).astype(jnp.int32), axis=1,
                             keepdims=True) - 1)


def _plan(hs, rwt, rb):
    return pl.pallas_call(
        _plan_body,
        grid=(1,),
        in_specs=[
            pl.BlockSpec((T, D), lambda i: (0, 0)),
            pl.BlockSpec((D, E), lambda i: (0, 0)),
            pl.BlockSpec((1, E), lambda i: (0, 0)),
            pl.BlockSpec((512, 512), lambda i: (0, 0)),
            pl.BlockSpec((E, E), lambda i: (0, 0)),
        ],
        out_specs=[
            pl.BlockSpec((T, E), lambda i: (0, 0)),
            pl.BlockSpec((NPAD // 512, 512), lambda i: (0, 0)),
            pl.BlockSpec((NPAD // 512, 512), lambda i: (0, 0)),
            pl.BlockSpec((T, 1), lambda i: (0, 0)),
            pl.BlockSpec((T, 1), lambda i: (0, 0)),
            pl.BlockSpec((128, 1), lambda i: (0, 0)),
        ],
        out_shape=[
            jax.ShapeDtypeStruct((T, E), jnp.float32),
            jax.ShapeDtypeStruct((NPAD // 512, 512), jnp.int32),
            jax.ShapeDtypeStruct((NPAD // 512, 512), jnp.float32),
            jax.ShapeDtypeStruct((T, 1), jnp.int32),
            jax.ShapeDtypeStruct((T, 1), jnp.int32),
            jax.ShapeDtypeStruct((128, 1), jnp.int32),
        ],
    )(hs, rwt, rb, _L512, _U8)


def _sc_gather(table, idx):
    rows_w = NPAD // NW
    half = rows_w // 2
    mesh = plsc.VectorSubcoreMesh(core_axis_name="c", subcore_axis_name="s")

    @functools.partial(
        pl.kernel, mesh=mesh,
        out_type=jax.ShapeDtypeStruct((NPAD, D), jnp.float32),
        scratch_types=[
            pltpu.VMEM((rows_w,), jnp.int32),
            pltpu.VMEM((half, D), jnp.float32),
            pltpu.SemaphoreType.DMA,
        ],
    )
    def k(tbl_hbm, idx_hbm, out_hbm, idx_v, buf, sem):
        wid = lax.axis_index("s") * 2 + lax.axis_index("c")
        base = wid * rows_w
        pltpu.sync_copy(idx_hbm.at[pl.ds(base, rows_w)], idx_v)
        for j in range(2):
            pltpu.async_copy(
                tbl_hbm.at[idx_v.at[pl.ds(j * half, half)]], buf, sem).wait()
            pltpu.sync_copy(buf, out_hbm.at[pl.ds(base + j * half, half)])

    return k(table, idx)


def _sc_unsort(y, pos1, pos2):
    rows_w = T // NW
    mesh = plsc.VectorSubcoreMesh(core_axis_name="c", subcore_axis_name="s")

    @functools.partial(
        pl.kernel, mesh=mesh,
        out_type=(jax.ShapeDtypeStruct((T, D), jnp.float32),
                  jax.ShapeDtypeStruct((T, D), jnp.float32)),
        scratch_types=[
            pltpu.VMEM((rows_w,), jnp.int32),
            pltpu.VMEM((rows_w, D), jnp.float32),
            pltpu.SemaphoreType.DMA,
        ],
    )
    def k(y_hbm, p1_hbm, p2_hbm, y1_hbm, y2_hbm, idx_v, buf, sem):
        wid = lax.axis_index("s") * 2 + lax.axis_index("c")
        base = wid * rows_w
        pltpu.sync_copy(p1_hbm.at[pl.ds(base, rows_w)], idx_v)
        pltpu.async_copy(y_hbm.at[idx_v], buf, sem).wait()
        pltpu.sync_copy(buf, y1_hbm.at[pl.ds(base, rows_w)])
        pltpu.sync_copy(p2_hbm.at[pl.ds(base, rows_w)], idx_v)
        pltpu.async_copy(y_hbm.at[idx_v], buf, sem).wait()
        pltpu.sync_copy(buf, y2_hbm.at[pl.ds(base, rows_w)])

    return k(y, pos1, pos2)


def _ffn_body(bexp_ref, xs_ref, wr_ref, guw_ref, gub_ref, dw_ref, db_ref,
              sel_ref, y_ref):
    x = xs_ref[...]
    xb = x.astype(jnp.bfloat16)
    guw = guw_ref[0].astype(jnp.bfloat16)
    gu = jnp.dot(xb, guw, preferred_element_type=jnp.float32) + gub_ref[0]
    gu_r = pltpu.roll(gu, 2 * FF - 1, 1)
    g = jnp.minimum(gu, LIMIT)
    u = jnp.clip(gu_r, -LIMIT, LIMIT)
    glu = g / (1.0 + jnp.exp(-ALPHA * g))
    act2 = ((u + 1.0) * glu).astype(jnp.bfloat16)
    act = jnp.dot(act2, sel_ref[...], preferred_element_type=jnp.float32)
    act = act.astype(jnp.bfloat16)
    dw = dw_ref[0].astype(jnp.bfloat16)
    contrib = jnp.dot(act, dw, preferred_element_type=jnp.float32)
    y_ref[...] = wr_ref[...] * (contrib + db_ref[0])


def _ffn(bexp, xs, wrow, guw, gub, dw, db, sel):
    grid_spec = pltpu.PrefetchScalarGridSpec(
        num_scalar_prefetch=1,
        grid=(NB,),
        in_specs=[
            pl.BlockSpec((BK, D), lambda b, p: (b, 0)),
            pl.BlockSpec((BK, 1), lambda b, p: (b, 0)),
            pl.BlockSpec((1, D, 2 * FF), lambda b, p: (p[b], 0, 0)),
            pl.BlockSpec((1, 1, 2 * FF), lambda b, p: (p[b], 0, 0)),
            pl.BlockSpec((1, FF, D), lambda b, p: (p[b], 0, 0)),
            pl.BlockSpec((1, 1, D), lambda b, p: (p[b], 0, 0)),
            pl.BlockSpec((2 * FF, FF), lambda b, p: (0, 0)),
        ],
        out_specs=pl.BlockSpec((BK, D), lambda b, p: (b, 0)),
    )
    return pl.pallas_call(
        _ffn_body,
        grid_spec=grid_spec,
        out_shape=jax.ShapeDtypeStruct((NPAD, D), jnp.float32),
    )(bexp, xs, wrow, guw, gub, dw, db, sel)


def _add_body(a_ref, b_ref, o_ref):
    o_ref[...] = a_ref[...] + b_ref[...]


def _add(a, b):
    return pl.pallas_call(
        _add_body,
        grid=(4,),
        in_specs=[pl.BlockSpec((T // 4, D), lambda i: (i, 0)),
                  pl.BlockSpec((T // 4, D), lambda i: (i, 0))],
        out_specs=pl.BlockSpec((T // 4, D), lambda i: (i, 0)),
        out_shape=jax.ShapeDtypeStruct((T, D), jnp.float32),
    )(a, b)


def kernel(hidden_states, router_weight, router_bias, gate_up_proj,
           gate_up_proj_bias, down_proj, down_proj_bias):
    bsz, seq, d = hidden_states.shape
    hs = hidden_states.reshape(T, d)
    rwt = router_weight.T
    rb = router_bias.reshape(1, E)
    gub = gate_up_proj_bias.reshape(E, 1, 2 * FF)
    db = down_proj_bias.reshape(E, 1, D)

    scores, gidx2, wrow2, pos1, pos2, bexp2 = _plan(hs, rwt, rb)
    gidx = gidx2.reshape(NPAD)
    wrow = wrow2.reshape(NPAD, 1)
    bexp = bexp2.reshape(128)[:NB]
    p1v = pos1.reshape(T)
    p2v = pos2.reshape(T)

    xs = _sc_gather(hs, gidx)
    y = _ffn(bexp, xs, wrow, gate_up_proj, gub, down_proj, db, _SEL)
    y1, y2 = _sc_unsort(y, p1v, p2v)
    out = _add(y1, y2)

    return out.reshape(bsz, seq, d), scores

# --- scband reference (transcript-rebuilt; emitter-appended) ---
"""Pipeline reference for scband-gpt-oss-mlplearn-28664611734204 (READ-ONLY COPY).

The authoritative reference and input builder live on the scoring server;
editing this copy changes nothing except your own understanding.
"""

import jax, jax.numpy as jnp
import numpy as np

E = 8
TOP_K = 2
D = 768
FF = 768
ALPHA = 1.702
LIMIT = 7.0
B = 1
S = 2048


def setup_inputs(seed: int = 0) -> dict:
    key = jax.random.key(seed)
    ks = jax.random.split(key, 7)
    return {
        "hidden_states": jax.random.normal(ks[0], (B, S, D), dtype=jnp.float32),
        "router_weight": jax.random.normal(ks[1], (E, D), dtype=jnp.float32) * 0.02,
        "router_bias": jax.random.normal(ks[2], (E,), dtype=jnp.float32) * 0.02,
        "gate_up_proj": jax.random.normal(ks[3], (E, D, 2 * FF), dtype=jnp.float32) * 0.02,
        "gate_up_proj_bias": jax.random.normal(ks[4], (E, 2 * FF), dtype=jnp.float32) * 0.02,
        "down_proj": jax.random.normal(ks[5], (E, FF, D), dtype=jnp.float32) * 0.02,
        "down_proj_bias": jax.random.normal(ks[6], (E, D), dtype=jnp.float32) * 0.02,
    }


def reference(hidden_states, router_weight, router_bias, gate_up_proj, gate_up_proj_bias, down_proj, down_proj_bias):
    bsz, seq, d = hidden_states.shape
    hs = hidden_states.reshape(-1, d)
    T = hs.shape[0]
    # ---- GptOssTopKRouterLearn ----
    router_logits = hs @ router_weight.T + router_bias
    top_val, top_idx = jax.lax.top_k(router_logits, TOP_K)
    top_val = jax.nn.softmax(top_val, axis=1)
    router_scores = jnp.zeros_like(router_logits).at[jnp.arange(T)[:, None], top_idx].set(top_val)
    # ---- GptOssExpertsLearn ----
    num_experts = router_scores.shape[1]
    gate_w = gate_up_proj[..., ::2]
    up_w = gate_up_proj[..., 1::2]
    gate_b = gate_up_proj_bias[..., ::2]
    up_b = gate_up_proj_bias[..., 1::2]
    hsE = jnp.broadcast_to(hs[None, :, :], (num_experts, T, d))
    gate = jnp.einsum('etd,edf->etf', hsE, gate_w) + gate_b[:, None, :]
    up = jnp.einsum('etd,edf->etf', hsE, up_w) + up_b[:, None, :]
    gate = jnp.minimum(gate, LIMIT)
    up = jnp.clip(up, -LIMIT, LIMIT)
    glu = gate * jax.nn.sigmoid(gate * ALPHA)
    next_states = jnp.einsum('etf,efd->etd', (up + 1.0) * glu, down_proj) + down_proj_bias[:, None, :]
    next_states = next_states.reshape(num_experts, bsz, -1, d)
    rw = router_scores.T.reshape(num_experts, bsz, -1)
    next_states = (next_states * rw[..., None]).sum(axis=0)
    return next_states, router_scores

if __name__ == "__main__":
    import jax
    _d = setup_inputs()
    print(jax.jit(kernel)(*tuple(_d.values())))

</pallas_src>

<mosaic_0001>
#map = affine_map<(d0, d1) -> (0, 0)>
#map1 = affine_map<(d0, d1) -> (0)>
module attributes {stable_mosaic.version = 14 : i64} {
  func.func @k(%arg0: i32, %arg1: i32, %arg2: memref<2048x768xf32, #tpu.memory_space<hbm>>, %arg3: memref<6144xi32, #tpu.memory_space<hbm>>, %arg4: memref<6144x768xf32, #tpu.memory_space<hbm>>, %arg5: memref<192xi32, #tpu.memory_space<vmem>>, %arg6: memref<96x768xf32, #tpu.memory_space<vmem>>, %arg7: memref<!tpu.dma_semaphore, #tpu.memory_space<semaphore_mem>>) attributes {dimension_semantics = [#tpu.dimension_semantics<core_parallel>, #tpu.dimension_semantics<subcore_parallel>], iteration_bounds = array<i64: 2, 16>, scalar_prefetch = 0 : i64, scratch_operands = 3 : i64, tpu.core_type = #tpu.core_type<sc_vector_subcore>, window_params = [{transform_indices = #map}, {transform_indices = #map1}, {transform_indices = #map}]} {
    %mul3A = arith.constant 2 : i32
    %mul3A_0 = arith.muli %arg1, %mul3A : i32
    %add3A = arith.addi %mul3A_0, %arg0 : i32
    %mul3A_1 = arith.constant 192 : i32
    %mul3A_2 = arith.muli %add3A, %mul3A_1 : i32
    "tpu.region"() ({
      %run_scoped3A = tpu.sem_alloc : memref<!tpu.dma_semaphore, #tpu.memory_space<semaphore_mem>>
      %dma_start3A_25 = tpu.memref_slice %arg3[%mul3A_2] : memref<6144xi32, #tpu.memory_space<hbm>> -> memref<192xi32, #tpu.memory_space<hbm>>
      %dma_start3A_26 = tpu.memref_slice %arg3[%mul3A_2] : memref<6144xi32, #tpu.memory_space<hbm>> -> memref<192xi32, #tpu.memory_space<hbm>>
      tpu.enqueue_dma source(%dma_start3A_26 : memref<192xi32, #tpu.memory_space<hbm>>) target(%arg5 : memref<192xi32, #tpu.memory_space<vmem>>) target_semaphore(%run_scoped3A : memref<!tpu.dma_semaphore, #tpu.memory_space<semaphore_mem>>)
      %dma_wait3A_27 = tpu.memref_slice %arg3[%mul3A_2] : memref<6144xi32, #tpu.memory_space<hbm>> -> memref<192xi32, #tpu.memory_space<hbm>>
      %dma_wait3A_28 = tpu.memref_slice %arg3[%mul3A_2] : memref<6144xi32, #tpu.memory_space<hbm>> -> memref<192xi32, #tpu.memory_space<hbm>>
      tpu.wait_dma2 semaphore(%run_scoped3A : memref<!tpu.dma_semaphore, #tpu.memory_space<semaphore_mem>>) src(%dma_wait3A_28 : memref<192xi32, #tpu.memory_space<hbm>>) dst(%arg5 : memref<192xi32, #tpu.memory_space<vmem>>)
      tpu.yield
    }) : () -> ()
    %dma_start3A = arith.constant 0 : i32
    %dma_start3A_3 = tpu.memref_slice %arg5[%dma_start3A] : memref<192xi32, #tpu.memory_space<vmem>> -> memref<96xi32, #tpu.memory_space<vmem>>
    %dma_start3A_4 = arith.constant 0 : i32
    %dma_start3A_5 = arith.constant 0 : i32
    %dma_start3A_6 = tpu.memref_slice %arg2[%dma_start3A_4, %dma_start3A_5] : memref<2048x768xf32, #tpu.memory_space<hbm>> -> memref<2048x768xf32, #tpu.memory_space<hbm>>
    tpu.enqueue_indirect_dma source(%dma_start3A_6 : memref<2048x768xf32, #tpu.memory_space<hbm>>) target(%arg6 : memref<96x768xf32, #tpu.memory_space<vmem>>) offsets(%dma_start3A_3 : memref<96xi32, #tpu.memory_space<vmem>>) semaphore(%arg7 : memref<!tpu.dma_semaphore, #tpu.memory_space<semaphore_mem>>)
    %dma_wait3A = arith.constant 0 : i32
    %dma_wait3A_7 = tpu.memref_slice %arg5[%dma_wait3A] : memref<192xi32, #tpu.memory_space<vmem>> -> memref<96xi32, #tpu.memory_space<vmem>>
    %dma_wait3A_8 = arith.constant 0 : i32
    %dma_wait3A_9 = arith.constant 0 : i32
    %dma_wait3A_10 = tpu.memref_slice %arg2[%dma_wait3A_8, %dma_wait3A_9] : memref<2048x768xf32, #tpu.memory_space<hbm>> -> memref<2048x768xf32, #tpu.memory_space<hbm>>
    tpu.wait_indirect_dma semaphore(%arg7 : memref<!tpu.dma_semaphore, #tpu.memory_space<semaphore_mem>>) src(%dma_wait3A_10 : memref<2048x768xf32, #tpu.memory_space<hbm>>) dst(%arg6 : memref<96x768xf32, #tpu.memory_space<vmem>>)
    %add3A_11 = arith.constant 0 : i32
    %add3A_12 = arith.addi %mul3A_2, %add3A_11 : i32
    "tpu.region"() ({
      %run_scoped3A = tpu.sem_alloc : memref<!tpu.dma_semaphore, #tpu.memory_space<semaphore_mem>>
      %dma_start3A_25 = arith.constant 0 : i32
      %dma_start3A_26 = tpu.memref_slice %arg4[%add3A_12, %dma_start3A_25] : memref<6144x768xf32, #tpu.memory_space<hbm>> -> memref<96x768xf32, #tpu.memory_space<hbm>>
      %dma_start3A_27 = arith.constant 0 : i32
      %dma_start3A_28 = tpu.memref_slice %arg4[%add3A_12, %dma_start3A_27] : memref<6144x768xf32, #tpu.memory_space<hbm>> -> memref<96x768xf32, #tpu.memory_space<hbm>>
      tpu.enqueue_dma source(%arg6 : memref<96x768xf32, #tpu.memory_space<vmem>>) target(%dma_start3A_28 : memref<96x768xf32, #tpu.memory_space<hbm>>) target_semaphore(%run_scoped3A : memref<!tpu.dma_semaphore, #tpu.memory_space<semaphore_mem>>)
      %dma_wait3A_29 = arith.constant 0 : i32
      %dma_wait3A_30 = tpu.memref_slice %arg4[%add3A_12, %dma_wait3A_29] : memref<6144x768xf32, #tpu.memory_space<hbm>> -> memref<96x768xf32, #tpu.memory_space<hbm>>
      %dma_wait3A_31 = arith.constant 0 : i32
      %dma_wait3A_32 = tpu.memref_slice %arg4[%add3A_12, %dma_wait3A_31] : memref<6144x768xf32, #tpu.memory_space<hbm>> -> memref<96x768xf32, #tpu.memory_space<hbm>>
      tpu.wait_dma2 semaphore(%run_scoped3A : memref<!tpu.dma_semaphore, #tpu.memory_space<semaphore_mem>>) src(%arg6 : memref<96x768xf32, #tpu.memory_space<vmem>>) dst(%dma_wait3A_32 : memref<96x768xf32, #tpu.memory_space<hbm>>)
      tpu.yield
    }) : () -> ()
    %dma_start3A_13 = arith.constant 96 : i32
    %dma_start3A_14 = tpu.memref_slice %arg5[%dma_start3A_13] : memref<192xi32, #tpu.memory_space<vmem>> -> memref<96xi32, #tpu.memory_space<vmem>>
    %dma_start3A_15 = arith.constant 0 : i32
    %dma_start3A_16 = arith.constant 0 : i32
    %dma_start3A_17 = tpu.memref_slice %arg2[%dma_start3A_15, %dma_start3A_16] : memref<2048x768xf32, #tpu.memory_space<hbm>> -> memref<2048x768xf32, #tpu.memory_space<hbm>>
    tpu.enqueue_indirect_dma source(%dma_start3A_17 : memref<2048x768xf32, #tpu.memory_space<hbm>>) target(%arg6 : memref<96x768xf32, #tpu.memory_space<vmem>>) offsets(%dma_start3A_14 : memref<96xi32, #tpu.memory_space<vmem>>) semaphore(%arg7 : memref<!tpu.dma_semaphore, #tpu.memory_space<semaphore_mem>>)
    %dma_wait3A_18 = arith.constant 96 : i32
    %dma_wait3A_19 = tpu.memref_slice %arg5[%dma_wait3A_18] : memref<192xi32, #tpu.memory_space<vmem>> -> memref<96xi32, #tpu.memory_space<vmem>>
    %dma_wait3A_20 = arith.constant 0 : i32
    %dma_wait3A_21 = arith.constant 0 : i32
    %dma_wait3A_22 = tpu.memref_slice %arg2[%dma_wait3A_20, %dma_wait3A_21] : memref<2048x768xf32, #tpu.memory_space<hbm>> -> memref<2048x768xf32, #tpu.memory_space<hbm>>
    tpu.wait_indirect_dma semaphore(%arg7 : memref<!tpu.dma_semaphore, #tpu.memory_space<semaphore_mem>>) src(%dma_wait3A_22 : memref<2048x768xf32, #tpu.memory_space<hbm>>) dst(%arg6 : memref<96x768xf32, #tpu.memory_space<vmem>>)
    %add3A_23 = arith.constant 96 : i32
    %add3A_24 = arith.addi %mul3A_2, %add3A_23 : i32
    "tpu.region"() ({
      %run_scoped3A = tpu.sem_alloc : memref<!tpu.dma_semaphore, #tpu.memory_space<semaphore_mem>>
      %dma_start3A_25 = arith.constant 0 : i32
      %dma_start3A_26 = tpu.memref_slice %arg4[%add3A_24, %dma_start3A_25] : memref<6144x768xf32, #tpu.memory_space<hbm>> -> memref<96x768xf32, #tpu.memory_space<hbm>>
      %dma_start3A_27 = arith.constant 0 : i32
      %dma_start3A_28 = tpu.memref_slice %arg4[%add3A_24, %dma_start3A_27] : memref<6144x768xf32, #tpu.memory_space<hbm>> -> memref<96x768xf32, #tpu.memory_space<hbm>>
      tpu.enqueue_dma source(%arg6 : memref<96x768xf32, #tpu.memory_space<vmem>>) target(%dma_start3A_28 : memref<96x768xf32, #tpu.memory_space<hbm>>) target_semaphore(%run_scoped3A : memref<!tpu.dma_semaphore, #tpu.memory_space<semaphore_mem>>)
      %dma_wait3A_29 = arith.constant 0 : i32
      %dma_wait3A_30 = tpu.memref_slice %arg4[%add3A_24, %dma_wait3A_29] : memref<6144x768xf32, #tpu.memory_space<hbm>> -> memref<96x768xf32, #tpu.memory_space<hbm>>
      %dma_wait3A_31 = arith.constant 0 : i32
      %dma_wait3A_32 = tpu.memref_slice %arg4[%add3A_24, %dma_wait3A_31] : memref<6144x768xf32, #tpu.memory_space<hbm>> -> memref<96x768xf32, #tpu.memory_space<hbm>>
      tpu.wait_dma2 semaphore(%run_scoped3A : memref<!tpu.dma_semaphore, #tpu.memory_space<semaphore_mem>>) src(%arg6 : memref<96x768xf32, #tpu.memory_space<vmem>>) dst(%dma_wait3A_32 : memref<96x768xf32, #tpu.memory_space<hbm>>)
      tpu.yield
    }) : () -> ()
    return
  }
}

#map = affine_map<(d0, d1) -> (0, 0)>
#map1 = affine_map<(d0, d1) -> (0)>
module attributes {stable_mosaic.version = 14 : i64} {
  func.func @k(%arg0: i32, %arg1: i32, %arg2: memref<6144x768xf32, #tpu.memory_space<hbm>>, %arg3: memref<2048xi32, #tpu.memory_space<hbm>>, %arg4: memref<2048xi32, #tpu.memory_space<hbm>>, %arg5: memref<2048x768xf32, #tpu.memory_space<hbm>>, %arg6: memref<2048x768xf32, #tpu.memory_space<hbm>>, %arg7: memref<64xi32, #tpu.memory_space<vmem>>, %arg8: memref<64x768xf32, #tpu.memory_space<vmem>>, %arg9: memref<!tpu.dma_semaphore, #tpu.memory_space<semaphore_mem>>) attributes {dimension_semantics = [#tpu.dimension_semantics<core_parallel>, #tpu.dimension_semantics<subcore_parallel>], iteration_bounds = array<i64: 2, 16>, scalar_prefetch = 0 : i64, scratch_operands = 3 : i64, tpu.core_type = #tpu.core_type<sc_vector_subcore>, window_params = [{transform_indices = #map}, {transform_indices = #map1}, {transform_indices = #map1}, {transform_indices = #map}, {transform_indices = #map}]} {
    %mul3A = arith.constant 2 : i32
    %mul3A_0 = arith.muli %arg1, %mul3A : i32
    %add3A = arith.addi %mul3A_0, %arg0 : i32
    %mul3A_1 = arith.constant 64 : i32
    %mul3A_2 = arith.muli %add3A, %mul3A_1 : i32
    "tpu.region"() ({
      %run_scoped3A = tpu.sem_alloc : memref<!tpu.dma_semaphore, #tpu.memory_space<semaphore_mem>>
      %dma_start3A_13 = tpu.memref_slice %arg3[%mul3A_2] : memref<2048xi32, #tpu.memory_space<hbm>> -> memref<64xi32, #tpu.memory_space<hbm>>
      %dma_start3A_14 = tpu.memref_slice %arg3[%mul3A_2] : memref<2048xi32, #tpu.memory_space<hbm>> -> memref<64xi32, #tpu.memory_space<hbm>>
      tpu.enqueue_dma source(%dma_start3A_14 : memref<64xi32, #tpu.memory_space<hbm>>) target(%arg7 : memref<64xi32, #tpu.memory_space<vmem>>) target_semaphore(%run_scoped3A : memref<!tpu.dma_semaphore, #tpu.memory_space<semaphore_mem>>)
      %dma_wait3A_15 = tpu.memref_slice %arg3[%mul3A_2] : memref<2048xi32, #tpu.memory_space<hbm>> -> memref<64xi32, #tpu.memory_space<hbm>>
      %dma_wait3A_16 = tpu.memref_slice %arg3[%mul3A_2] : memref<2048xi32, #tpu.memory_space<hbm>> -> memref<64xi32, #tpu.memory_space<hbm>>
      tpu.wait_dma2 semaphore(%run_scoped3A : memref<!tpu.dma_semaphore, #tpu.memory_space<semaphore_mem>>) src(%dma_wait3A_16 : memref<64xi32, #tpu.memory_space<hbm>>) dst(%arg7 : memref<64xi32, #tpu.memory_space<vmem>>)
      tpu.yield
    }) : () -> ()
    %dma_start3A = arith.constant 0 : i32
    %dma_start3A_3 = arith.constant 0 : i32
    %dma_start3A_4 = tpu.memref_slice %arg2[%dma_start3A, %dma_start3A_3] : memref<6144x768xf32, #tpu.memory_space<hbm>> -> memref<6144x768xf32, #tpu.memory_space<hbm>>
    tpu.enqueue_indirect_dma source(%dma_start3A_4 : memref<6144x768xf32, #tpu.memory_space<hbm>>) target(%arg8 : memref<64x768xf32, #tpu.memory_space<vmem>>) offsets(%arg7 : memref<64xi32, #tpu.memory_space<vmem>>) semaphore(%arg9 : memref<!tpu.dma_semaphore, #tpu.memory_space<semaphore_mem>>)
    %dma_wait3A = arith.constant 0 : i32
    %dma_wait3A_5 = arith.constant 0 : i32
    %dma_wait3A_6 = tpu.memref_slice %arg2[%dma_wait3A, %dma_wait3A_5] : memref<6144x768xf32, #tpu.memory_space<hbm>> -> memref<6144x768xf32, #tpu.memory_space<hbm>>
    tpu.wait_indirect_dma semaphore(%arg9 : memref<!tpu.dma_semaphore, #tpu.memory_space<semaphore_mem>>) src(%dma_wait3A_6 : memref<6144x768xf32, #tpu.memory_space<hbm>>) dst(%arg8 : memref<64x768xf32, #tpu.memory_space<vmem>>)
    "tpu.region"() ({
      %run_scoped3A = tpu.sem_alloc : memref<!tpu.dma_semaphore, #tpu.memory_space<semaphore_mem>>
      %dma_start3A_13 = arith.constant 0 : i32
      %dma_start3A_14 = tpu.memref_slice %arg5[%mul3A_2, %dma_start3A_13] : memref<2048x768xf32, #tpu.memory_space<hbm>> -> memref<64x768xf32, #tpu.memory_space<hbm>>
      %dma_start3A_15 = arith.constant 0 : i32
      %dma_start3A_16 = tpu.memref_slice %arg5[%mul3A_2, %dma_start3A_15] : memref<2048x768xf32, #tpu.memory_space<hbm>> -> memref<64x768xf32, #tpu.memory_space<hbm>>
      tpu.enqueue_dma source(%arg8 : memref<64x768xf32, #tpu.memory_space<vmem>>) target(%dma_start3A_16 : memref<64x768xf32, #tpu.memory_space<hbm>>) target_semaphore(%run_scoped3A : memref<!tpu.dma_semaphore, #tpu.memory_space<semaphore_mem>>)
      %dma_wait3A_17 = arith.constant 0 : i32
      %dma_wait3A_18 = tpu.memref_slice %arg5[%mul3A_2, %dma_wait3A_17] : memref<2048x768xf32, #tpu.memory_space<hbm>> -> memref<64x768xf32, #tpu.memory_space<hbm>>
      %dma_wait3A_19 = arith.constant 0 : i32
      %dma_wait3A_20 = tpu.memref_slice %arg5[%mul3A_2, %dma_wait3A_19] : memref<2048x768xf32, #tpu.memory_space<hbm>> -> memref<64x768xf32, #tpu.memory_space<hbm>>
      tpu.wait_dma2 semaphore(%run_scoped3A : memref<!tpu.dma_semaphore, #tpu.memory_space<semaphore_mem>>) src(%arg8 : memref<64x768xf32, #tpu.memory_space<vmem>>) dst(%dma_wait3A_20 : memref<64x768xf32, #tpu.memory_space<hbm>>)
      tpu.yield
    }) : () -> ()
    "tpu.region"() ({
      %run_scoped3A = tpu.sem_alloc : memref<!tpu.dma_semaphore, #tpu.memory_space<semaphore_mem>>
      %dma_start3A_13 = tpu.memref_slice %arg4[%mul3A_2] : memref<2048xi32, #tpu.memory_space<hbm>> -> memref<64xi32, #tpu.memory_space<hbm>>
      %dma_start3A_14 = tpu.memref_slice %arg4[%mul3A_2] : memref<2048xi32, #tpu.memory_space<hbm>> -> memref<64xi32, #tpu.memory_space<hbm>>
      tpu.enqueue_dma source(%dma_start3A_14 : memref<64xi32, #tpu.memory_space<hbm>>) target(%arg7 : memref<64xi32, #tpu.memory_space<vmem>>) target_semaphore(%run_scoped3A : memref<!tpu.dma_semaphore, #tpu.memory_space<semaphore_mem>>)
      %dma_wait3A_15 = tpu.memref_slice %arg4[%mul3A_2] : memref<2048xi32, #tpu.memory_space<hbm>> -> memref<64xi32, #tpu.memory_space<hbm>>
      %dma_wait3A_16 = tpu.memref_slice %arg4[%mul3A_2] : memref<2048xi32, #tpu.memory_space<hbm>> -> memref<64xi32, #tpu.memory_space<hbm>>
      tpu.wait_dma2 semaphore(%run_scoped3A : memref<!tpu.dma_semaphore, #tpu.memory_space<semaphore_mem>>) src(%dma_wait3A_16 : memref<64xi32, #tpu.memory_space<hbm>>) dst(%arg7 : memref<64xi32, #tpu.memory_space<vmem>>)
      tpu.yield
    }) : () -> ()
    %dma_start3A_7 = arith.constant 0 : i32
    %dma_start3A_8 = arith.constant 0 : i32
    %dma_start3A_9 = tpu.memref_slice %arg2[%dma_start3A_7, %dma_start3A_8] : memref<6144x768xf32, #tpu.memory_space<hbm>> -> memref<6144x768xf32, #tpu.memory_space<hbm>>
    tpu.enqueue_indirect_dma source(%dma_start3A_9 : memref<6144x768xf32, #tpu.memory_space<hbm>>) target(%arg8 : memref<64x768xf32, #tpu.memory_space<vmem>>) offsets(%arg7 : memref<64xi32, #tpu.memory_space<vmem>>) semaphore(%arg9 : memref<!tpu.dma_semaphore, #tpu.memory_space<semaphore_mem>>)
    %dma_wait3A_10 = arith.constant 0 : i32
    %dma_wait3A_11 = arith.constant 0 : i32
    %dma_wait3A_12 = tpu.memref_slice %arg2[%dma_wait3A_10, %dma_wait3A_11] : memref<6144x768xf32, #tpu.memory_space<hbm>> -> memref<6144x768xf32, #tpu.memory_space<hbm>>
    tpu.wait_indirect_dma semaphore(%arg9 : memref<!tpu.dma_semaphore, #tpu.memory_space<semaphore_mem>>) src(%dma_wait3A_12 : memref<6144x768xf32, #tpu.memory_space<hbm>>) dst(%arg8 : memref<64x768xf32, #tpu.memory_space<vmem>>)
    "tpu.region"() ({
      %run_scoped3A = tpu.sem_alloc : memref<!tpu.dma_semaphore, #tpu.memory_space<semaphore_mem>>
      %dma_start3A_13 = arith.constant 0 : i32
      %dma_start3A_14 = tpu.memref_slice %arg6[%mul3A_2, %dma_start3A_13] : memref<2048x768xf32, #tpu.memory_space<hbm>> -> memref<64x768xf32, #tpu.memory_space<hbm>>
      %dma_start3A_15 = arith.constant 0 : i32
      %dma_start3A_16 = tpu.memref_slice %arg6[%mul3A_2, %dma_start3A_15] : memref<2048x768xf32, #tpu.memory_space<hbm>> -> memref<64x768xf32, #tpu.memory_space<hbm>>
      tpu.enqueue_dma source(%arg8 : memref<64x768xf32, #tpu.memory_space<vmem>>) target(%dma_start3A_16 : memref<64x768xf32, #tpu.memory_space<hbm>>) target_semaphore(%run_scoped3A : memref<!tpu.dma_semaphore, #tpu.memory_space<semaphore_mem>>)
      %dma_wait3A_17 = arith.constant 0 : i32
      %dma_wait3A_18 = tpu.memref_slice %arg6[%mul3A_2, %dma_wait3A_17] : memref<2048x768xf32, #tpu.memory_space<hbm>> -> memref<64x768xf32, #tpu.memory_space<hbm>>
      %dma_wait3A_19 = arith.constant 0 : i32
      %dma_wait3A_20 = tpu.memref_slice %arg6[%mul3A_2, %dma_wait3A_19] : memref<2048x768xf32, #tpu.memory_space<hbm>> -> memref<64x768xf32, #tpu.memory_space<hbm>>
      tpu.wait_dma2 semaphore(%run_scoped3A : memref<!tpu.dma_semaphore, #tpu.memory_space<semaphore_mem>>) src(%arg8 : memref<64x768xf32, #tpu.memory_space<vmem>>) dst(%dma_wait3A_20 : memref<64x768xf32, #tpu.memory_space<hbm>>)
      tpu.yield
    }) : () -> ()
    return
  }
}

module attributes {stable_mosaic.version = 14 : i64} {
  func.func @_plan_body(%arg0: i32, %arg1: memref<2048x768xf32, #tpu.memory_space<vmem>>, %arg2: memref<768x8xf32, #tpu.memory_space<vmem>>, %arg3: memref<1x8xf32, #tpu.memory_space<vmem>>, %arg4: memref<512x512xf32, #tpu.memory_space<vmem>>, %arg5: memref<8x8xf32, #tpu.memory_space<vmem>>, %arg6: memref<2048x8xf32, #tpu.memory_space<vmem>>, %arg7: memref<12x512xi32, #tpu.memory_space<vmem>>, %arg8: memref<12x512xf32, #tpu.memory_space<vmem>>, %arg9: memref<2048x1xi32, #tpu.memory_space<vmem>>, %arg10: memref<2048x1xi32, #tpu.memory_space<vmem>>, %arg11: memref<128x1xi32, #tpu.memory_space<vmem>>) attributes {dimension_semantics = [#tpu.dimension_semantics<arbitrary>], iteration_bounds = array<i64: 1>, scalar_prefetch = 0 : i64, scratch_operands = 0 : i64, tpu.core_type = #tpu.core_type<tc>, window_params = [{pipeline_mode = #tpu.pipeline_mode<synchronous>, transform_indices = @transform_0, window_bounds = array<i64: 2048, 768>}, {pipeline_mode = #tpu.pipeline_mode<synchronous>, transform_indices = @transform_1, window_bounds = array<i64: 768, 8>}, {pipeline_mode = #tpu.pipeline_mode<synchronous>, transform_indices = @transform_2, window_bounds = array<i64: 1, 8>}, {pipeline_mode = #tpu.pipeline_mode<synchronous>, transform_indices = @transform_3, window_bounds = array<i64: 512, 512>}, {pipeline_mode = #tpu.pipeline_mode<synchronous>, transform_indices = @transform_4, window_bounds = array<i64: 8, 8>}, {pipeline_mode = #tpu.pipeline_mode<synchronous>, transform_indices = @transform_5, window_bounds = array<i64: 2048, 8>}, {pipeline_mode = #tpu.pipeline_mode<synchronous>, transform_indices = @transform_6, window_bounds = array<i64: 12, 512>}, {pipeline_mode = #tpu.pipeline_mode<synchronous>, transform_indices = @transform_7, window_bounds = array<i64: 12, 512>}, {pipeline_mode = #tpu.pipeline_mode<synchronous>, transform_indices = @transform_8, window_bounds = array<i64: 2048, 1>}, {pipeline_mode = #tpu.pipeline_mode<synchronous>, transform_indices = @transform_9, window_bounds = array<i64: 2048, 1>}, {pipeline_mode = #tpu.pipeline_mode<synchronous>, transform_indices = @transform_10, window_bounds = array<i64: 128, 1>}]} {
    %get3A = arith.constant 0 : index
    %get3A_0 = arith.constant 0 : index
    %get3A_1 = vector.load %arg1[%get3A, %get3A_0] : memref<2048x768xf32, #tpu.memory_space<vmem>>, vector<2048x768xf32>
    %get3A_2 = arith.constant 0 : index
    %get3A_3 = arith.constant 0 : index
    %get3A_4 = vector.load %arg2[%get3A_2, %get3A_3] : memref<768x8xf32, #tpu.memory_space<vmem>>, vector<768x8xf32>
    %dot_general3A = arith.constant dense<0.000000e+00> : vector<2048x8xf32>
    %dot_general3A_5 = tpu.matmul %get3A_1, %get3A_4, %dot_general3A {dimension_numbers = #tpu.dot_dimension_numbers<[1], [0], [0], [1], [0, 0, 1, 1], [], []>, transpose_lhs_hint = false} : vector<2048x768xf32>, vector<768x8xf32>, vector<2048x8xf32> -> vector<2048x8xf32>
    %get3A_6 = arith.constant 0 : index
    %get3A_7 = arith.constant 0 : index
    %get3A_8 = vector.load %arg3[%get3A_6, %get3A_7] : memref<1x8xf32, #tpu.memory_space<vmem>>, vector<1x8xf32>
    %add3A = vector.broadcast %get3A_8 : vector<1x8xf32> to vector<2048x8xf32>
    %add3A_9 = arith.addf %dot_general3A_5, %add3A : vector<2048x8xf32>
    %iota3A = tpu.iota {dimensions = array<i32: 1>} : vector<2048x8xi32>
    %reduce_max3A = arith.constant dense<0xFF800000> : vector<2048xf32>
    %reduce_max3A_10 = vector.multi_reduction <maximumf>, %add3A_9, %reduce_max3A [1] : vector<2048x8xf32> to vector<2048xf32>
    %broadcast_in_dim3A = vector.shape_cast %reduce_max3A_10 : vector<2048xf32> to vector<2048x1xf32>
    %eq3A = vector.broadcast %broadcast_in_dim3A : vector<2048x1xf32> to vector<2048x8xf32>
    %eq3A_11 = arith.cmpf oeq, %add3A_9, %eq3A : vector<2048x8xf32>
    %jit3A = arith.constant 8 : i32
    %broadcast_in_dim3A_12 = vector.broadcast %jit3A : i32 to vector<2048x8xi32>
    %select_n3A = arith.select %eq3A_11, %iota3A, %broadcast_in_dim3A_12 : vector<2048x8xi1>, vector<2048x8xi32>
    %reduce_min3A = arith.constant dense<2147483647> : vector<2048xi32>
    %reduce_min3A_13 = vector.multi_reduction <minsi>, %select_n3A, %reduce_min3A [1] : vector<2048x8xi32> to vector<2048xi32>
    %broadcast_in_dim3A_14 = vector.shape_cast %reduce_min3A_13 : vector<2048xi32> to vector<2048x1xi32>
    %eq3A_15 = vector.broadcast %broadcast_in_dim3A_14 : vector<2048x1xi32> to vector<2048x8xi32>
    %eq3A_16 = arith.cmpi eq, %iota3A, %eq3A_15 : vector<2048x8xi32>
    %jit3A_17 = arith.constant 0xFF800000 : f32
    %broadcast_in_dim3A_18 = vector.broadcast %jit3A_17 : f32 to vector<2048x8xf32>
    %select_n3A_19 = arith.select %eq3A_16, %broadcast_in_dim3A_18, %add3A_9 : vector<2048x8xi1>, vector<2048x8xf32>
    %reduce_max3A_20 = arith.constant dense<0xFF800000> : vector<2048xf32>
    %reduce_max3A_21 = vector.multi_reduction <maximumf>, %select_n3A_19, %reduce_max3A_20 [1] : vector<2048x8xf32> to vector<2048xf32>
    %broadcast_in_dim3A_22 = vector.shape_cast %reduce_max3A_21 : vector<2048xf32> to vector<2048x1xf32>
    %eq3A_23 = vector.broadcast %broadcast_in_dim3A_22 : vector<2048x1xf32> to vector<2048x8xf32>
    %eq3A_24 = arith.cmpf oeq, %select_n3A_19, %eq3A_23 : vector<2048x8xf32>
    %jit3A_25 = arith.constant 8 : i32
    %broadcast_in_dim3A_26 = vector.broadcast %jit3A_25 : i32 to vector<2048x8xi32>
    %select_n3A_27 = arith.select %eq3A_24, %iota3A, %broadcast_in_dim3A_26 : vector<2048x8xi1>, vector<2048x8xi32>
    %reduce_min3A_28 = arith.constant dense<2147483647> : vector<2048xi32>
    %reduce_min3A_29 = vector.multi_reduction <minsi>, %select_n3A_27, %reduce_min3A_28 [1] : vector<2048x8xi32> to vector<2048xi32>
    %broadcast_in_dim3A_30 = vector.shape_cast %reduce_min3A_29 : vector<2048xi32> to vector<2048x1xi32>
    %sub3A = arith.subf %broadcast_in_dim3A_22, %broadcast_in_dim3A : vector<2048x1xf32>
    %exp3A = math.exp %sub3A : vector<2048x1xf32>
    %add3A_31 = arith.constant 1.000000e+00 : f32
    %add3A_32 = vector.broadcast %add3A_31 : f32 to vector<2048x1xf32>
    %add3A_33 = arith.addf %add3A_32, %exp3A : vector<2048x1xf32>
    %div3A = arith.constant 1.000000e+00 : f32
    %div3A_34 = vector.broadcast %div3A : f32 to vector<2048x1xf32>
    %div3A_35 = arith.divf %div3A_34, %add3A_33 : vector<2048x1xf32>
    %sub3A_36 = arith.constant 1.000000e+00 : f32
    %sub3A_37 = vector.broadcast %sub3A_36 : f32 to vector<2048x1xf32>
    %sub3A_38 = arith.subf %sub3A_37, %div3A_35 : vector<2048x1xf32>
    %eq3A_39 = vector.broadcast %broadcast_in_dim3A_14 : vector<2048x1xi32> to vector<2048x8xi32>
    %eq3A_40 = arith.cmpi eq, %iota3A, %eq3A_39 : vector<2048x8xi32>
    %eq3A_41 = vector.broadcast %broadcast_in_dim3A_30 : vector<2048x1xi32> to vector<2048x8xi32>
    %eq3A_42 = arith.cmpi eq, %iota3A, %eq3A_41 : vector<2048x8xi32>
    %jit3A_43 = arith.constant 0.000000e+00 : f32
    %broadcast_in_dim3A_44 = vector.shape_cast %sub3A_38 : vector<2048x1xf32> to vector<2048x1xf32>
    %broadcast_in_dim3A_45 = vector.broadcast %broadcast_in_dim3A_44 : vector<2048x1xf32> to vector<2048x8xf32>
    %broadcast_in_dim3A_46 = vector.broadcast %jit3A_43 : f32 to vector<2048x8xf32>
    %select_n3A_47 = arith.select %eq3A_42, %broadcast_in_dim3A_45, %broadcast_in_dim3A_46 : vector<2048x8xi1>, vector<2048x8xf32>
    %broadcast_in_dim3A_48 = vector.shape_cast %div3A_35 : vector<2048x1xf32> to vector<2048x1xf32>
    %broadcast_in_dim3A_49 = vector.broadcast %broadcast_in_dim3A_48 : vector<2048x1xf32> to vector<2048x8xf32>
    %select_n3A_50 = arith.select %eq3A_40, %broadcast_in_dim3A_49, %select_n3A_47 : vector<2048x8xi1>, vector<2048x8xf32>
    %swap3A = arith.constant 0 : index
    %swap3A_51 = arith.constant 0 : index
    %swap3A_52 = vector.load %arg6[%swap3A, %swap3A_51] : memref<2048x8xf32, #tpu.memory_space<vmem>>, vector<2048x8xf32>
    tpu.vector_store %arg6[%swap3A, %swap3A_51], %select_n3A_50 {strides = array<i32>} : memref<2048x8xf32, #tpu.memory_space<vmem>>, vector<2048x8xf32>,
    %concatenate3A = tpu.concatenate %broadcast_in_dim3A_14, %broadcast_in_dim3A_30 in 0 : vector<2048x1xi32>, vector<2048x1xi32> -> vector<4096x1xi32>
    %concatenate3A_53 = tpu.concatenate %div3A_35, %sub3A_38 in 0 : vector<2048x1xf32>, vector<2048x1xf32> -> vector<4096x1xf32>
    %iota3A_54 = tpu.iota {dimensions = array<i32: 0>} : vector<4096x1xi32>
    %jit3A_55 = arith.constant 2048 : i32
    %eq3A_56 = arith.constant 0 : i32
    %eq3A_57 = arith.cmpi eq, %jit3A_55, %eq3A_56 : i32
    %jit3A_58 = arith.constant 1 : i32
    %select_n3A_59 = arith.select %eq3A_57, %jit3A_58, %jit3A_55 : i32
    %rem3A = vector.broadcast %select_n3A_59 : i32 to vector<4096x1xi32>
    %rem3A_60 = arith.remsi %iota3A_54, %rem3A : vector<4096x1xi32>
    %ne3A = arith.constant 0 : i32
    %ne3A_61 = vector.broadcast %ne3A : i32 to vector<4096x1xi32>
    %ne3A_62 = arith.cmpi ne, %rem3A_60, %ne3A_61 : vector<4096x1xi32>
    %lt3A = arith.constant 0 : i32
    %lt3A_63 = vector.broadcast %lt3A : i32 to vector<4096x1xi32>
    %lt3A_64 = arith.cmpi slt, %rem3A_60, %lt3A_63 : vector<4096x1xi32>
    %lt3A_65 = arith.constant 0 : i32
    %lt3A_66 = arith.cmpi slt, %select_n3A_59, %lt3A_65 : i32
    %ne3A_67 = vector.broadcast %lt3A_66 : i1 to vector<4096x1xi1>
    %ne3A_68 = vector.broadcast %ne3A_67 : vector<4096x1xi1> to vector<4096x1xi1>
    %ne3A_69 = arith.xori %lt3A_64, %ne3A_68 : vector<4096x1xi1>
    %and3A = arith.andi %ne3A_69, %ne3A_62 : vector<4096x1xi1>
    %add3A_70 = vector.broadcast %select_n3A_59 : i32 to vector<4096x1xi32>
    %add3A_71 = arith.addi %rem3A_60, %add3A_70 : vector<4096x1xi32>
    %select_n3A_72 = arith.select %and3A, %add3A_71, %rem3A_60 : vector<4096x1xi1>, vector<4096x1xi32>
    %convert_element_type3A = arith.sitofp %select_n3A_72 : vector<4096x1xi32> to vector<4096x1xf32>
    %iota3A_73 = tpu.iota {dimensions = array<i32: 1>} : vector<4096x8xi32>
    %eq3A_74 = vector.broadcast %concatenate3A : vector<4096x1xi32> to vector<4096x8xi32>
    %eq3A_75 = arith.cmpi eq, %eq3A_74, %iota3A_73 : vector<4096x8xi32>
    %convert_element_type3A_76 = arith.extui %eq3A_75 : vector<4096x8xi1> to vector<4096x8xi32>
    %convert_element_type3A_77 = arith.sitofp %convert_element_type3A_76 : vector<4096x8xi32> to vector<4096x8xf32>
    %reduce_sum3A = arith.constant dense<0.000000e+00> : vector<8xf32>
    %reduce_sum3A_78 = vector.multi_reduction <add>, %convert_element_type3A_77, %reduce_sum3A [0] : vector<4096x8xf32> to vector<8xf32>
    %broadcast_in_dim3A_79 = vector.shape_cast %reduce_sum3A_78 : vector<8xf32> to vector<1x8xf32>
    %add3A_80 = arith.constant 2.550000e+02 : f32
    %add3A_81 = vector.broadcast %add3A_80 : f32 to vector<1x8xf32>
    %add3A_82 = arith.addf %broadcast_in_dim3A_79, %add3A_81 : vector<1x8xf32>
    %mul3A = arith.constant 3.906250e-03 : f32
    %mul3A_83 = vector.broadcast %mul3A : f32 to vector<1x8xf32>
    %mul3A_84 = arith.mulf %add3A_82, %mul3A_83 : vector<1x8xf32>
    %floor3A = math.floor %mul3A_84 : vector<1x8xf32>
    %mul3A_85 = arith.constant 2.560000e+02 : f32
    %mul3A_86 = vector.broadcast %mul3A_85 : f32 to vector<1x8xf32>
    %mul3A_87 = arith.mulf %floor3A, %mul3A_86 : vector<1x8xf32>
    %get3A_88 = arith.constant 0 : index
    %get3A_89 = arith.constant 0 : index
    %get3A_90 = vector.load %arg5[%get3A_88, %get3A_89] : memref<8x8xf32, #tpu.memory_space<vmem>>, vector<8x8xf32>
    %dot_general3A_91 = arith.constant dense<0.000000e+00> : vector<1x8xf32>
    %dot_general3A_92 = tpu.matmul %mul3A_87, %get3A_90, %dot_general3A_91 {dimension_numbers = #tpu.dot_dimension_numbers<[1], [0], [0], [1], [0, 0, 1, 1], [], []>, precision = #tpu.contract_precision<fp32>, transpose_lhs_hint = false} : vector<1x8xf32>, vector<8x8xf32>, vector<1x8xf32> -> vector<1x8xf32>
    %get3A_93 = arith.constant 0 : index
    %get3A_94 = arith.constant 0 : index
    %get3A_95 = vector.load %arg4[%get3A_93, %get3A_94] : memref<512x512xf32, #tpu.memory_space<vmem>>, vector<512x512xf32>
    %broadcast_in_dim3A_96 = arith.constant 0.000000e+00 : f32
    %broadcast_in_dim3A_97 = vector.broadcast %broadcast_in_dim3A_96 : f32 to vector<1x8xf32>
    %slice3A = vector.extract_strided_slice %convert_element_type3A_77 {offsets = [0, 0], sizes = [512, 8], strides = [1, 1]} : vector<4096x8xf32> to vector<512x8xf32>
    %dot_general3A_98 = arith.constant dense<0.000000e+00> : vector<512x8xf32>
    %dot_general3A_99 = tpu.matmul %get3A_95, %slice3A, %dot_general3A_98 {dimension_numbers = #tpu.dot_dimension_numbers<[1], [0], [0], [1], [0, 0, 1, 1], [], []>, precision = #tpu.contract_precision<fp32>, transpose_lhs_hint = false} : vector<512x512xf32>, vector<512x8xf32>, vector<512x8xf32> -> vector<512x8xf32>
    %add3A_100 = vector.broadcast %broadcast_in_dim3A_97 : vector<1x8xf32> to vector<512x8xf32>
    %add3A_101 = arith.addf %dot_general3A_99, %add3A_100 : vector<512x8xf32>
    %reduce_sum3A_102 = arith.constant dense<0.000000e+00> : vector<8xf32>
    %reduce_sum3A_103 = vector.multi_reduction <add>, %slice3A, %reduce_sum3A_102 [0] : vector<512x8xf32> to vector<8xf32>
    %broadcast_in_dim3A_104 = vector.shape_cast %reduce_sum3A_103 : vector<8xf32> to vector<1x8xf32>
    %add3A_105 = arith.addf %broadcast_in_dim3A_97, %broadcast_in_dim3A_104 : vector<1x8xf32>
    %slice3A_106 = vector.extract_strided_slice %convert_element_type3A_77 {offsets = [512, 0], sizes = [512, 8], strides = [1, 1]} : vector<4096x8xf32> to vector<512x8xf32>
    %dot_general3A_107 = arith.constant dense<0.000000e+00> : vector<512x8xf32>
    %dot_general3A_108 = tpu.matmul %get3A_95, %slice3A_106, %dot_general3A_107 {dimension_numbers = #tpu.dot_dimension_numbers<[1], [0], [0], [1], [0, 0, 1, 1], [], []>, precision = #tpu.contract_precision<fp32>, transpose_lhs_hint = false} : vector<512x512xf32>, vector<512x8xf32>, vector<512x8xf32> -> vector<512x8xf32>
    %add3A_109 = vector.broadcast %add3A_105 : vector<1x8xf32> to vector<512x8xf32>
    %add3A_110 = arith.addf %dot_general3A_108, %add3A_109 : vector<512x8xf32>
    %reduce_sum3A_111 = arith.constant dense<0.000000e+00> : vector<8xf32>
    %reduce_sum3A_112 = vector.multi_reduction <add>, %slice3A_106, %reduce_sum3A_111 [0] : vector<512x8xf32> to vector<8xf32>
    %broadcast_in_dim3A_113 = vector.shape_cast %reduce_sum3A_112 : vector<8xf32> to vector<1x8xf32>
    %add3A_114 = arith.addf %add3A_105, %broadcast_in_dim3A_113 : vector<1x8xf32>
    %slice3A_115 = vector.extract_strided_slice %convert_element_type3A_77 {offsets = [1024, 0], sizes = [512, 8], strides = [1, 1]} : vector<4096x8xf32> to vector<512x8xf32>
    %dot_general3A_116 = arith.constant dense<0.000000e+00> : vector<512x8xf32>
    %dot_general3A_117 = tpu.matmul %get3A_95, %slice3A_115, %dot_general3A_116 {dimension_numbers = #tpu.dot_dimension_numbers<[1], [0], [0], [1], [0, 0, 1, 1], [], []>, precision = #tpu.contract_precision<fp32>, transpose_lhs_hint = false} : vector<512x512xf32>, vector<512x8xf32>, vector<512x8xf32> -> vector<512x8xf32>
    %add3A_118 = vector.broadcast %add3A_114 : vector<1x8xf32> to vector<512x8xf32>
    %add3A_119 = arith.addf %dot_general3A_117, %add3A_118 : vector<512x8xf32>
    %reduce_sum3A_120 = arith.constant dense<0.000000e+00> : vector<8xf32>
    %reduce_sum3A_121 = vector.multi_reduction <add>, %slice3A_115, %reduce_sum3A_120 [0] : vector<512x8xf32> to vector<8xf32>
    %broadcast_in_dim3A_122 = vector.shape_cast %reduce_sum3A_121 : vector<8xf32> to vector<1x8xf32>
    %add3A_123 = arith.addf %add3A_114, %broadcast_in_dim3A_122 : vector<1x8xf32>
    %slice3A_124 = vector.extract_strided_slice %convert_element_type3A_77 {offsets = [1536, 0], sizes = [512, 8], strides = [1, 1]} : vector<4096x8xf32> to vector<512x8xf32>
    %dot_general3A_125 = arith.constant dense<0.000000e+00> : vector<512x8xf32>
    %dot_general3A_126 = tpu.matmul %get3A_95, %slice3A_124, %dot_general3A_125 {dimension_numbers = #tpu.dot_dimension_numbers<[1], [0], [0], [1], [0, 0, 1, 1], [], []>, precision = #tpu.contract_precision<fp32>, transpose_lhs_hint = false} : vector<512x512xf32>, vector<512x8xf32>, vector<512x8xf32> -> vector<512x8xf32>
    %add3A_127 = vector.broadcast %add3A_123 : vector<1x8xf32> to vector<512x8xf32>
    %add3A_128 = arith.addf %dot_general3A_126, %add3A_127 : vector<512x8xf32>
    %reduce_sum3A_129 = arith.constant dense<0.000000e+00> : vector<8xf32>
    %reduce_sum3A_130 = vector.multi_reduction <add>, %slice3A_124, %reduce_sum3A_129 [0] : vector<512x8xf32> to vector<8xf32>
    %broadcast_in_dim3A_131 = vector.shape_cast %reduce_sum3A_130 : vector<8xf32> to vector<1x8xf32>
    %add3A_132 = arith.addf %add3A_123, %broadcast_in_dim3A_131 : vector<1x8xf32>
    %slice3A_133 = vector.extract_strided_slice %convert_element_type3A_77 {offsets = [2048, 0], sizes = [512, 8], strides = [1, 1]} : vector<4096x8xf32> to vector<512x8xf32>
    %dot_general3A_134 = arith.constant dense<0.000000e+00> : vector<512x8xf32>
    %dot_general3A_135 = tpu.matmul %get3A_95, %slice3A_133, %dot_general3A_134 {dimension_numbers = #tpu.dot_dimension_numbers<[1], [0], [0], [1], [0, 0, 1, 1], [], []>, precision = #tpu.contract_precision<fp32>, transpose_lhs_hint = false} : vector<512x512xf32>, vector<512x8xf32>, vector<512x8xf32> -> vector<512x8xf32>
    %add3A_136 = vector.broadcast %add3A_132 : vector<1x8xf32> to vector<512x8xf32>
    %add3A_137 = arith.addf %dot_general3A_135, %add3A_136 : vector<512x8xf32>
    %reduce_sum3A_138 = arith.constant dense<0.000000e+00> : vector<8xf32>
    %reduce_sum3A_139 = vector.multi_reduction <add>, %slice3A_133, %reduce_sum3A_138 [0] : vector<512x8xf32> to vector<8xf32>
    %broadcast_in_dim3A_140 = vector.shape_cast %reduce_sum3A_139 : vector<8xf32> to vector<1x8xf32>
    %add3A_141 = arith.addf %add3A_132, %broadcast_in_dim3A_140 : vector<1x8xf32>
    %slice3A_142 = vector.extract_strided_slice %convert_element_type3A_77 {offsets = [2560, 0], sizes = [512, 8], strides = [1, 1]} : vector<4096x8xf32> to vector<512x8xf32>
    %dot_general3A_143 = arith.constant dense<0.000000e+00> : vector<512x8xf32>
    %dot_general3A_144 = tpu.matmul %get3A_95, %slice3A_142, %dot_general3A_143 {dimension_numbers = #tpu.dot_dimension_numbers<[1], [0], [0], [1], [0, 0, 1, 1], [], []>, precision = #tpu.contract_precision<fp32>, transpose_lhs_hint = false} : vector<512x512xf32>, vector<512x8xf32>, vector<512x8xf32> -> vector<512x8xf32>
    %add3A_145 = vector.broadcast %add3A_141 : vector<1x8xf32> to vector<512x8xf32>
    %add3A_146 = arith.addf %dot_general3A_144, %add3A_145 : vector<512x8xf32>
    %reduce_sum3A_147 = arith.constant dense<0.000000e+00> : vector<8xf32>
    %reduce_sum3A_148 = vector.multi_reduction <add>, %slice3A_142, %reduce_sum3A_147 [0] : vector<512x8xf32> to vector<8xf32>
    %broadcast_in_dim3A_149 = vector.shape_cast %reduce_sum3A_148 : vector<8xf32> to vector<1x8xf32>
    %add3A_150 = arith.addf %add3A_141, %broadcast_in_dim3A_149 : vector<1x8xf32>
    %slice3A_151 = vector.extract_strided_slice %convert_element_type3A_77 {offsets = [3072, 0], sizes = [512, 8], strides = [1, 1]} : vector<4096x8xf32> to vector<512x8xf32>
    %dot_general3A_152 = arith.constant dense<0.000000e+00> : vector<512x8xf32>
    %dot_general3A_153 = tpu.matmul %get3A_95, %slice3A_151, %dot_general3A_152 {dimension_numbers = #tpu.dot_dimension_numbers<[1], [0], [0], [1], [0, 0, 1, 1], [], []>, precision = #tpu.contract_precision<fp32>, transpose_lhs_hint = false} : vector<512x512xf32>, vector<512x8xf32>, vector<512x8xf32> -> vector<512x8xf32>
    %add3A_154 = vector.broadcast %add3A_150 : vector<1x8xf32> to vector<512x8xf32>
    %add3A_155 = arith.addf %dot_general3A_153, %add3A_154 : vector<512x8xf32>
    %reduce_sum3A_156 = arith.constant dense<0.000000e+00> : vector<8xf32>
    %reduce_sum3A_157 = vector.multi_reduction <add>, %slice3A_151, %reduce_sum3A_156 [0] : vector<512x8xf32> to vector<8xf32>
    %broadcast_in_dim3A_158 = vector.shape_cast %reduce_sum3A_157 : vector<8xf32> to vector<1x8xf32>
    %add3A_159 = arith.addf %add3A_150, %broadcast_in_dim3A_158 : vector<1x8xf32>
    %slice3A_160 = vector.extract_strided_slice %convert_element_type3A_77 {offsets = [3584, 0], sizes = [512, 8], strides = [1, 1]} : vector<4096x8xf32> to vector<512x8xf32>
    %dot_general3A_161 = arith.constant dense<0.000000e+00> : vector<512x8xf32>
    %dot_general3A_162 = tpu.matmul %get3A_95, %slice3A_160, %dot_general3A_161 {dimension_numbers = #tpu.dot_dimension_numbers<[1], [0], [0], [1], [0, 0, 1, 1], [], []>, precision = #tpu.contract_precision<fp32>, transpose_lhs_hint = false} : vector<512x512xf32>, vector<512x8xf32>, vector<512x8xf32> -> vector<512x8xf32>
    %add3A_163 = vector.broadcast %add3A_159 : vector<1x8xf32> to vector<512x8xf32>
    %add3A_164 = arith.addf %dot_general3A_162, %add3A_163 : vector<512x8xf32>
    %concatenate3A_165 = tpu.concatenate %add3A_101, %add3A_110, %add3A_119, %add3A_128, %add3A_137, %add3A_146, %add3A_155, %add3A_164 in 0 : vector<512x8xf32>, vector<512x8xf32>, vector<512x8xf32>, vector<512x8xf32>, vector<512x8xf32>, vector<512x8xf32>, vector<512x8xf32>, vector<512x8xf32> -> vector<4096x8xf32>
    %mul3A_166 = arith.mulf %convert_element_type3A_77, %concatenate3A_165 : vector<4096x8xf32>
    %reduce_sum3A_167 = arith.constant dense<0.000000e+00> : vector<4096xf32>
    %reduce_sum3A_168 = vector.multi_reduction <add>, %mul3A_166, %reduce_sum3A_167 [1] : vector<4096x8xf32> to vector<4096xf32>
    %broadcast_in_dim3A_169 = vector.shape_cast %reduce_sum3A_168 : vector<4096xf32> to vector<4096x1xf32>
    %mul3A_170 = vector.broadcast %dot_general3A_92 : vector<1x8xf32> to vector<4096x8xf32>
    %mul3A_171 = arith.mulf %convert_element_type3A_77, %mul3A_170 : vector<4096x8xf32>
    %reduce_sum3A_172 = arith.constant dense<0.000000e+00> : vector<4096xf32>
    %reduce_sum3A_173 = vector.multi_reduction <add>, %mul3A_171, %reduce_sum3A_172 [1] : vector<4096x8xf32> to vector<4096xf32>
    %broadcast_in_dim3A_174 = vector.shape_cast %reduce_sum3A_173 : vector<4096xf32> to vector<4096x1xf32>
    %add3A_175 = arith.addf %broadcast_in_dim3A_174, %broadcast_in_dim3A_169 : vector<4096x1xf32>
    %sub3A_176 = arith.constant 1.000000e+00 : f32
    %sub3A_177 = vector.broadcast %sub3A_176 : f32 to vector<4096x1xf32>
    %sub3A_178 = arith.subf %add3A_175, %sub3A_177 : vector<4096x1xf32>
    %slice3A_179 = vector.extract_strided_slice %sub3A_178 {offsets = [0, 0], sizes = [2048, 1], strides = [1, 1]} : vector<4096x1xf32> to vector<2048x1xf32>
    %convert_element_type3A_180 = arith.fptosi %slice3A_179 : vector<2048x1xf32> to vector<2048x1xi32>
    %swap3A_181 = arith.constant 0 : index
    %swap3A_182 = arith.constant 0 : index
    %swap3A_183 = vector.load %arg9[%swap3A_181, %swap3A_182] : memref<2048x1xi32, #tpu.memory_space<vmem>>, vector<2048x1xi32>
    tpu.vector_store %arg9[%swap3A_181, %swap3A_182], %convert_element_type3A_180 {strides = array<i32>} : memref<2048x1xi32, #tpu.memory_space<vmem>>, vector<2048x1xi32>,
    %slice3A_184 = vector.extract_strided_slice %sub3A_178 {offsets = [2048, 0], sizes = [2048, 1], strides = [1, 1]} : vector<4096x1xf32> to vector<2048x1xf32>
    %convert_element_type3A_185 = arith.fptosi %slice3A_184 : vector<2048x1xf32> to vector<2048x1xi32>
    %swap3A_186 = arith.constant 0 : index
    %swap3A_187 = arith.constant 0 : index
    %swap3A_188 = vector.load %arg10[%swap3A_186, %swap3A_187] : memref<2048x1xi32, #tpu.memory_space<vmem>>, vector<2048x1xi32>
    tpu.vector_store %arg10[%swap3A_186, %swap3A_187], %convert_element_type3A_185 {strides = array<i32>} : memref<2048x1xi32, #tpu.memory_space<vmem>>, vector<2048x1xi32>,
    %iota3A_189 = tpu.iota {dimensions = array<i32: 1>} : vector<4096x512xi32>
    %scan3A = arith.constant 0 : i32
    %scan3A_190 = arith.constant 12 : i32
    %scan3A_191 = arith.addi %scan3A, %scan3A_190 : i32
    %scan3A_192 = arith.constant 1 : i32
    scf.for %scan3A_211 = %scan3A to %scan3A_191 step %scan3A_192  : i32 {
      %mul3A_212 = arith.constant 512 : i32
      %mul3A_213 = arith.muli %scan3A_211, %mul3A_212 : i32
      %add3A_214 = vector.broadcast %mul3A_213 : i32 to vector<4096x512xi32>
      %add3A_215 = arith.addi %iota3A_189, %add3A_214 : vector<4096x512xi32>
      %convert_element_type3A_216 = arith.sitofp %add3A_215 : vector<4096x512xi32> to vector<4096x512xf32>
      %eq3A_217 = vector.broadcast %sub3A_178 : vector<4096x1xf32> to vector<4096x512xf32>
      %eq3A_218 = arith.cmpf oeq, %eq3A_217, %convert_element_type3A_216 : vector<4096x512xf32>
      %jit3A_219 = arith.constant 0.000000e+00 : f32
      %broadcast_in_dim3A_220 = vector.shape_cast %convert_element_type3A : vector<4096x1xf32> to vector<4096x1xf32>
      %broadcast_in_dim3A_221 = vector.broadcast %broadcast_in_dim3A_220 : vector<4096x1xf32> to vector<4096x512xf32>
      %broadcast_in_dim3A_222 = vector.broadcast %jit3A_219 : f32 to vector<4096x512xf32>
      %select_n3A_223 = arith.select %eq3A_218, %broadcast_in_dim3A_221, %broadcast_in_dim3A_222 : vector<4096x512xi1>, vector<4096x512xf32>
      %reduce_max3A_224 = arith.constant dense<0xFF800000> : vector<512xf32>
      %reduce_max3A_225 = vector.multi_reduction <maximumf>, %select_n3A_223, %reduce_max3A_224 [0] : vector<4096x512xf32> to vector<512xf32>
      %convert_element_type3A_226 = arith.fptosi %reduce_max3A_225 : vector<512xf32> to vector<512xi32>
      %swap3A_227 = arith.index_cast %scan3A_211 : i32 to index
      %swap3A_228 = arith.constant 0 : index
      %swap3A_229 = vector.load %arg7[%swap3A_227, %swap3A_228] : memref<12x512xi32, #tpu.memory_space<vmem>>, vector<1x512xi32>
      %swap3A_230 = vector.shape_cast %swap3A_229 : vector<1x512xi32> to vector<512xi32>
      %swap3A_231 = vector.shape_cast %convert_element_type3A_226 : vector<512xi32> to vector<1x512xi32>
      tpu.vector_store %arg7[%swap3A_227, %swap3A_228], %swap3A_231 {strides = array<i32>} : memref<12x512xi32, #tpu.memory_space<vmem>>, vector<1x512xi32>,
      %jit3A_232 = arith.constant 0.000000e+00 : f32
      %broadcast_in_dim3A_233 = vector.shape_cast %concatenate3A_53 : vector<4096x1xf32> to vector<4096x1xf32>
      %broadcast_in_dim3A_234 = vector.broadcast %broadcast_in_dim3A_233 : vector<4096x1xf32> to vector<4096x512xf32>
      %broadcast_in_dim3A_235 = vector.broadcast %jit3A_232 : f32 to vector<4096x512xf32>
      %select_n3A_236 = arith.select %eq3A_218, %broadcast_in_dim3A_234, %broadcast_in_dim3A_235 : vector<4096x512xi1>, vector<4096x512xf32>
      %reduce_max3A_237 = arith.constant dense<0xFF800000> : vector<512xf32>
      %reduce_max3A_238 = vector.multi_reduction <maximumf>, %select_n3A_236, %reduce_max3A_237 [0] : vector<4096x512xf32> to vector<512xf32>
      %swap3A_239 = arith.index_cast %scan3A_211 : i32 to index
      %swap3A_240 = arith.constant 0 : index
      %swap3A_241 = vector.load %arg8[%swap3A_239, %swap3A_240] : memref<12x512xf32, #tpu.memory_space<vmem>>, vector<1x512xf32>
      %swap3A_242 = vector.shape_cast %swap3A_241 : vector<1x512xf32> to vector<512xf32>
      %swap3A_243 = vector.shape_cast %reduce_max3A_238 : vector<512xf32> to vector<1x512xf32>
      tpu.vector_store %arg8[%swap3A_239, %swap3A_240], %swap3A_243 {strides = array<i32>} : memref<12x512xf32, #tpu.memory_space<vmem>>, vector<1x512xf32>,
    }
    %scan3A_193 = arith.constant 12 : i32
    %broadcast_in_dim3A_194 = vector.shape_cast %dot_general3A_92 : vector<1x8xf32> to vector<1x8xf32>
    %broadcast_in_dim3A_195 = vector.broadcast %broadcast_in_dim3A_194 : vector<1x8xf32> to vector<128x8xf32>
    %iota3A_196 = tpu.iota {dimensions = array<i32: 0>} : vector<128x8xi32>
    %mul3A_197 = arith.constant 256 : i32
    %mul3A_198 = vector.broadcast %mul3A_197 : i32 to vector<128x8xi32>
    %mul3A_199 = arith.muli %iota3A_196, %mul3A_198 : vector<128x8xi32>
    %convert_element_type3A_200 = arith.sitofp %mul3A_199 : vector<128x8xi32> to vector<128x8xf32>
    %le3A = arith.cmpf ole, %broadcast_in_dim3A_195, %convert_element_type3A_200 : vector<128x8xf32>
    %convert_element_type3A_201 = arith.extui %le3A : vector<128x8xi1> to vector<128x8xi32>
    %reduce_sum3A_202 = arith.constant dense<0> : vector<128xi32>
    %reduce_sum3A_203 = vector.multi_reduction <add>, %convert_element_type3A_201, %reduce_sum3A_202 [1] : vector<128x8xi32> to vector<128xi32>
    %broadcast_in_dim3A_204 = vector.shape_cast %reduce_sum3A_203 : vector<128xi32> to vector<128x1xi32>
    %sub3A_205 = arith.constant 1 : i32
    %sub3A_206 = vector.broadcast %sub3A_205 : i32 to vector<128x1xi32>
    %sub3A_207 = arith.subi %broadcast_in_dim3A_204, %sub3A_206 : vector<128x1xi32>
    %swap3A_208 = arith.constant 0 : index
    %swap3A_209 = arith.constant 0 : index
    %swap3A_210 = vector.load %arg11[%swap3A_208, %swap3A_209] : memref<128x1xi32, #tpu.memory_space<vmem>>, vector<128x1xi32>
    tpu.vector_store %arg11[%swap3A_208, %swap3A_209], %sub3A_207 {strides = array<i32>} : memref<128x1xi32, #tpu.memory_space<vmem>>, vector<128x1xi32>,
    return
  }
  func.func @transform_0(%arg0: i32) -> (i32, i32) {
    %c0_i32 = arith.constant 0 : i32
    %c0_i32_0 = arith.constant 0 : i32
    %c0_i32_1 = arith.constant 0 : i32
    return %c0_i32, %c0_i32_0 : i32, i32
  }
  func.func @transform_1(%arg0: i32) -> (i32, i32) {
    %c0_i32 = arith.constant 0 : i32
    %c0_i32_0 = arith.constant 0 : i32
    %c0_i32_1 = arith.constant 0 : i32
    return %c0_i32, %c0_i32_0 : i32, i32
  }
  func.func @transform_2(%arg0: i32) -> (i32, i32) {
    %c0_i32 = arith.constant 0 : i32
    %c0_i32_0 = arith.constant 0 : i32
    %c0_i32_1 = arith.constant 0 : i32
    return %c0_i32, %c0_i32_0 : i32, i32
  }
  func.func @transform_3(%arg0: i32) -> (i32, i32) {
    %c0_i32 = arith.constant 0 : i32
    %c0_i32_0 = arith.constant 0 : i32
    %c0_i32_1 = arith.constant 0 : i32
    return %c0_i32, %c0_i32_0 : i32, i32
  }
  func.func @transform_4(%arg0: i32) -> (i32, i32) {
    %c0_i32 = arith.constant 0 : i32
    %c0_i32_0 = arith.constant 0 : i32
    %c0_i32_1 = arith.constant 0 : i32
    return %c0_i32, %c0_i32_0 : i32, i32
  }
  func.func @transform_5(%arg0: i32) -> (i32, i32) {
    %c0_i32 = arith.constant 0 : i32
    %c0_i32_0 = arith.constant 0 : i32
    %c0_i32_1 = arith.constant 0 : i32
    return %c0_i32, %c0_i32_0 : i32, i32
  }
  func.func @transform_6(%arg0: i32) -> (i32, i32) {
    %c0_i32 = arith.constant 0 : i32
    %c0_i32_0 = arith.constant 0 : i32
    %c0_i32_1 = arith.constant 0 : i32
    return %c0_i32, %c0_i32_0 : i32, i32
  }
  func.func @transform_7(%arg0: i32) -> (i32, i32) {
    %c0_i32 = arith.constant 0 : i32
    %c0_i32_0 = arith.constant 0 : i32
    %c0_i32_1 = arith.constant 0 : i32
    return %c0_i32, %c0_i32_0 : i32, i32
  }
  func.func @transform_8(%arg0: i32) -> (i32, i32) {
    %c0_i32 = arith.constant 0 : i32
    %c0_i32_0 = arith.constant 0 : i32
    %c0_i32_1 = arith.constant 0 : i32
    return %c0_i32, %c0_i32_0 : i32, i32
  }
  func.func @transform_9(%arg0: i32) -> (i32, i32) {
    %c0_i32 = arith.constant 0 : i32
    %c0_i32_0 = arith.constant 0 : i32
    %c0_i32_1 = arith.constant 0 : i32
    return %c0_i32, %c0_i32_0 : i32, i32
  }
  func.func @transform_10(%arg0: i32) -> (i32, i32) {
    %c0_i32 = arith.constant 0 : i32
    %c0_i32_0 = arith.constant 0 : i32
    %c0_i32_1 = arith.constant 0 : i32
    return %c0_i32, %c0_i32_0 : i32, i32
  }
}

module attributes {stable_mosaic.version = 14 : i64} {
  func.func @_ffn_body(%arg0: i32, %arg1: memref<24xi32, #tpu.memory_space<smem>>, %arg2: memref<256x768xf32, #tpu.memory_space<vmem>>, %arg3: memref<256x1xf32, #tpu.memory_space<vmem>>, %arg4: memref<1x768x1536xf32, #tpu.memory_space<vmem>>, %arg5: memref<1x1x1536xf32, #tpu.memory_space<vmem>>, %arg6: memref<1x768x768xf32, #tpu.memory_space<vmem>>, %arg7: memref<1x1x768xf32, #tpu.memory_space<vmem>>, %arg8: memref<1536x768xbf16, #tpu.memory_space<vmem>>, %arg9: memref<256x768xf32, #tpu.memory_space<vmem>>) attributes {dimension_semantics = [#tpu.dimension_semantics<arbitrary>], iteration_bounds = array<i64: 24>, scalar_prefetch = 1 : i64, scratch_operands = 0 : i64, tpu.core_type = #tpu.core_type<tc>, window_params = [{transform_indices = @transform_0, window_bounds = array<i64: 256, 768>}, {transform_indices = @transform_1, window_bounds = array<i64: 256, 1>}, {transform_indices = @transform_2, window_bounds = array<i64: 1, 768, 1536>}, {transform_indices = @transform_3, window_bounds = array<i64: 1, 1, 1536>}, {transform_indices = @transform_4, window_bounds = array<i64: 1, 768, 768>}, {transform_indices = @transform_5, window_bounds = array<i64: 1, 1, 768>}, {pipeline_mode = #tpu.pipeline_mode<synchronous>, transform_indices = @transform_6, window_bounds = array<i64: 1536, 768>}, {transform_indices = @transform_7, window_bounds = array<i64: 256, 768>}]} {
    %get3A = arith.constant 0 : index
    %get3A_0 = arith.constant 0 : index
    %get3A_1 = vector.load %arg2[%get3A, %get3A_0] : memref<256x768xf32, #tpu.memory_space<vmem>>, vector<256x768xf32>
    %convert_element_type3A = arith.truncf %get3A_1 : vector<256x768xf32> to vector<256x768xbf16>
    %get3A_2 = arith.constant 0 : index
    %get3A_3 = arith.constant 0 : index
    %get3A_4 = arith.constant 0 : index
    %get3A_5 = vector.load %arg4[%get3A_2, %get3A_3, %get3A_4] : memref<1x768x1536xf32, #tpu.memory_space<vmem>>, vector<1x768x1536xf32>
    %get3A_6 = vector.shape_cast %get3A_5 : vector<1x768x1536xf32> to vector<768x1536xf32>
    %convert_element_type3A_7 = arith.truncf %get3A_6 : vector<768x1536xf32> to vector<768x1536xbf16>
    %dot_general3A = arith.constant dense<0.000000e+00> : vector<256x1536xf32>
    %dot_general3A_8 = tpu.matmul %convert_element_type3A, %convert_element_type3A_7, %dot_general3A {dimension_numbers = #tpu.dot_dimension_numbers<[1], [0], [0], [1], [0, 0, 1, 1], [], []>, transpose_lhs_hint = false} : vector<256x768xbf16>, vector<768x1536xbf16>, vector<256x1536xf32> -> vector<256x1536xf32>
    %get3A_9 = arith.constant 0 : index
    %get3A_10 = arith.constant 0 : index
    %get3A_11 = arith.constant 0 : index
    %get3A_12 = vector.load %arg5[%get3A_9, %get3A_10, %get3A_11] : memref<1x1x1536xf32, #tpu.memory_space<vmem>>, vector<1x1x1536xf32>
    %get3A_13 = vector.shape_cast %get3A_12 : vector<1x1x1536xf32> to vector<1x1536xf32>
    %add3A = vector.broadcast %get3A_13 : vector<1x1536xf32> to vector<256x1536xf32>
    %add3A_14 = arith.addf %dot_general3A_8, %add3A : vector<256x1536xf32>
    %roll3A = arith.constant 1535 : i32
    %roll3A_15 = tpu.dynamic_rotate %add3A_14 by %roll3A dim 1 : vector<256x1536xf32>, i32 -> vector<256x1536xf32>
    %min3A = arith.constant 7.000000e+00 : f32
    %min3A_16 = vector.broadcast %min3A : f32 to vector<256x1536xf32>
    %min3A_17 = arith.minimumf %add3A_14, %min3A_16 : vector<256x1536xf32>
    %jit3A = arith.constant -7.000000e+00 : f32
    %jit3A_18 = arith.constant 7.000000e+00 : f32
    %max3A = vector.broadcast %jit3A : f32 to vector<256x1536xf32>
    %max3A_19 = arith.maximumf %max3A, %roll3A_15 : vector<256x1536xf32>
    %min3A_20 = vector.broadcast %jit3A_18 : f32 to vector<256x1536xf32>
    %min3A_21 = arith.minimumf %min3A_20, %max3A_19 : vector<256x1536xf32>
    %mul3A = arith.constant -1.702000e+00 : f32
    %mul3A_22 = vector.broadcast %mul3A : f32 to vector<256x1536xf32>
    %mul3A_23 = arith.mulf %mul3A_22, %min3A_17 : vector<256x1536xf32>
    %exp3A = math.exp %mul3A_23 : vector<256x1536xf32>
    %add3A_24 = arith.constant 1.000000e+00 : f32
    %add3A_25 = vector.broadcast %add3A_24 : f32 to vector<256x1536xf32>
    %add3A_26 = arith.addf %add3A_25, %exp3A : vector<256x1536xf32>
    %div3A = arith.divf %min3A_17, %add3A_26 : vector<256x1536xf32>
    %add3A_27 = arith.constant 1.000000e+00 : f32
    %add3A_28 = vector.broadcast %add3A_27 : f32 to vector<256x1536xf32>
    %add3A_29 = arith.addf %min3A_21, %add3A_28 : vector<256x1536xf32>
    %mul3A_30 = arith.mulf %add3A_29, %div3A : vector<256x1536xf32>
    %convert_element_type3A_31 = arith.truncf %mul3A_30 : vector<256x1536xf32> to vector<256x1536xbf16>
    %get3A_32 = arith.constant 0 : index
    %get3A_33 = arith.constant 0 : index
    %get3A_34 = vector.load %arg8[%get3A_32, %get3A_33] : memref<1536x768xbf16, #tpu.memory_space<vmem>>, vector<1536x768xbf16>
    %dot_general3A_35 = arith.constant dense<0.000000e+00> : vector<256x768xf32>
    %dot_general3A_36 = tpu.matmul %convert_element_type3A_31, %get3A_34, %dot_general3A_35 {dimension_numbers = #tpu.dot_dimension_numbers<[1], [0], [0], [1], [0, 0, 1, 1], [], []>, transpose_lhs_hint = false} : vector<256x1536xbf16>, vector<1536x768xbf16>, vector<256x768xf32> -> vector<256x768xf32>
    %convert_element_type3A_37 = arith.truncf %dot_general3A_36 : vector<256x768xf32> to vector<256x768xbf16>
    %get3A_38 = arith.constant 0 : index
    %get3A_39 = arith.constant 0 : index
    %get3A_40 = arith.constant 0 : index
    %get3A_41 = vector.load %arg6[%get3A_38, %get3A_39, %get3A_40] : memref<1x768x768xf32, #tpu.memory_space<vmem>>, vector<1x768x768xf32>
    %get3A_42 = vector.shape_cast %get3A_41 : vector<1x768x768xf32> to vector<768x768xf32>
    %convert_element_type3A_43 = arith.truncf %get3A_42 : vector<768x768xf32> to vector<768x768xbf16>
    %dot_general3A_44 = arith.constant dense<0.000000e+00> : vector<256x768xf32>
    %dot_general3A_45 = tpu.matmul %convert_element_type3A_37, %convert_element_type3A_43, %dot_general3A_44 {dimension_numbers = #tpu.dot_dimension_numbers<[1], [0], [0], [1], [0, 0, 1, 1], [], []>, transpose_lhs_hint = false} : vector<256x768xbf16>, vector<768x768xbf16>, vector<256x768xf32> -> vector<256x768xf32>
    %get3A_46 = arith.constant 0 : index
    %get3A_47 = arith.constant 0 : index
    %get3A_48 = vector.load %arg3[%get3A_46, %get3A_47] : memref<256x1xf32, #tpu.memory_space<vmem>>, vector<256x1xf32>
    %get3A_49 = arith.constant 0 : index
    %get3A_50 = arith.constant 0 : index
    %get3A_51 = arith.constant 0 : index
    %get3A_52 = vector.load %arg7[%get3A_49, %get3A_50, %get3A_51] : memref<1x1x768xf32, #tpu.memory_space<vmem>>, vector<1x1x768xf32>
    %get3A_53 = vector.shape_cast %get3A_52 : vector<1x1x768xf32> to vector<1x768xf32>
    %add3A_54 = vector.broadcast %get3A_53 : vector<1x768xf32> to vector<256x768xf32>
    %add3A_55 = arith.addf %dot_general3A_45, %add3A_54 : vector<256x768xf32>
    %mul3A_56 = vector.broadcast %get3A_48 : vector<256x1xf32> to vector<256x768xf32>
    %mul3A_57 = arith.mulf %mul3A_56, %add3A_55 : vector<256x768xf32>
    %swap3A = arith.constant 0 : index
    %swap3A_58 = arith.constant 0 : index
    %swap3A_59 = vector.load %arg9[%swap3A, %swap3A_58] : memref<256x768xf32, #tpu.memory_space<vmem>>, vector<256x768xf32>
    tpu.vector_store %arg9[%swap3A, %swap3A_58], %mul3A_57 {strides = array<i32>} : memref<256x768xf32, #tpu.memory_space<vmem>>, vector<256x768xf32>,
    return
  }
  func.func @transform_0(%arg0: i32, %arg1: memref<24xi32, #tpu.memory_space<smem>>) -> (i32, i32) {
    %c0_i32 = arith.constant 0 : i32
    %c0_i32_0 = arith.constant 0 : i32
    return %arg0, %c0_i32 : i32, i32
  }
  func.func @transform_1(%arg0: i32, %arg1: memref<24xi32, #tpu.memory_space<smem>>) -> (i32, i32) {
    %c0_i32 = arith.constant 0 : i32
    %c0_i32_0 = arith.constant 0 : i32
    return %arg0, %c0_i32 : i32, i32
  }
  func.func @transform_2(%arg0: i32, %arg1: memref<24xi32, #tpu.memory_space<smem>>) -> (i32, i32, i32) {
    %get3A = arith.index_cast %arg0 : i32 to index
    %get3A_0 = memref.load %arg1[%get3A] : memref<24xi32, #tpu.memory_space<smem>>
    %c0_i32 = arith.constant 0 : i32
    %c0_i32_1 = arith.constant 0 : i32
    %c0_i32_2 = arith.constant 0 : i32
    return %get3A_0, %c0_i32, %c0_i32_1 : i32, i32, i32
  }
  func.func @transform_3(%arg0: i32, %arg1: memref<24xi32, #tpu.memory_space<smem>>) -> (i32, i32, i32) {
    %get3A = arith.index_cast %arg0 : i32 to index
    %get3A_0 = memref.load %arg1[%get3A] : memref<24xi32, #tpu.memory_space<smem>>
    %c0_i32 = arith.constant 0 : i32
    %c0_i32_1 = arith.constant 0 : i32
    %c0_i32_2 = arith.constant 0 : i32
    return %get3A_0, %c0_i32, %c0_i32_1 : i32, i32, i32
  }
  func.func @transform_4(%arg0: i32, %arg1: memref<24xi32, #tpu.memory_space<smem>>) -> (i32, i32, i32) {
    %get3A = arith.index_cast %arg0 : i32 to index
    %get3A_0 = memref.load %arg1[%get3A] : memref<24xi32, #tpu.memory_space<smem>>
    %c0_i32 = arith.constant 0 : i32
    %c0_i32_1 = arith.constant 0 : i32
    %c0_i32_2 = arith.constant 0 : i32
    return %get3A_0, %c0_i32, %c0_i32_1 : i32, i32, i32
  }
  func.func @transform_5(%arg0: i32, %arg1: memref<24xi32, #tpu.memory_space<smem>>) -> (i32, i32, i32) {
    %get3A = arith.index_cast %arg0 : i32 to index
    %get3A_0 = memref.load %arg1[%get3A] : memref<24xi32, #tpu.memory_space<smem>>
    %c0_i32 = arith.constant 0 : i32
    %c0_i32_1 = arith.constant 0 : i32
    %c0_i32_2 = arith.constant 0 : i32
    return %get3A_0, %c0_i32, %c0_i32_1 : i32, i32, i32
  }
  func.func @transform_6(%arg0: i32, %arg1: memref<24xi32, #tpu.memory_space<smem>>) -> (i32, i32) {
    %c0_i32 = arith.constant 0 : i32
    %c0_i32_0 = arith.constant 0 : i32
    %c0_i32_1 = arith.constant 0 : i32
    return %c0_i32, %c0_i32_0 : i32, i32
  }
  func.func @transform_7(%arg0: i32, %arg1: memref<24xi32, #tpu.memory_space<smem>>) -> (i32, i32) {
    %c0_i32 = arith.constant 0 : i32
    %c0_i32_0 = arith.constant 0 : i32
    return %arg0, %c0_i32 : i32, i32
  }
}

module attributes {stable_mosaic.version = 14 : i64} {
  func.func @_add_body(%arg0: i32, %arg1: memref<512x768xf32, #tpu.memory_space<vmem>>, %arg2: memref<512x768xf32, #tpu.memory_space<vmem>>, %arg3: memref<512x768xf32, #tpu.memory_space<vmem>>) attributes {dimension_semantics = [#tpu.dimension_semantics<arbitrary>], iteration_bounds = array<i64: 4>, scalar_prefetch = 0 : i64, scratch_operands = 0 : i64, tpu.core_type = #tpu.core_type<tc>, window_params = [{transform_indices = @transform_0, window_bounds = array<i64: 512, 768>}, {transform_indices = @transform_1, window_bounds = array<i64: 512, 768>}, {transform_indices = @transform_2, window_bounds = array<i64: 512, 768>}]} {
    %get3A = arith.constant 0 : index
    %get3A_0 = arith.constant 0 : index
    %get3A_1 = vector.load %arg1[%get3A, %get3A_0] : memref<512x768xf32, #tpu.memory_space<vmem>>, vector<512x768xf32>
    %get3A_2 = arith.constant 0 : index
    %get3A_3 = arith.constant 0 : index
    %get3A_4 = vector.load %arg2[%get3A_2, %get3A_3] : memref<512x768xf32, #tpu.memory_space<vmem>>, vector<512x768xf32>
    %add3A = arith.addf %get3A_1, %get3A_4 : vector<512x768xf32>
    %swap3A = arith.constant 0 : index
    %swap3A_5 = arith.constant 0 : index
    %swap3A_6 = vector.load %arg3[%swap3A, %swap3A_5] : memref<512x768xf32, #tpu.memory_space<vmem>>, vector<512x768xf32>
    tpu.vector_store %arg3[%swap3A, %swap3A_5], %add3A {strides = array<i32>} : memref<512x768xf32, #tpu.memory_space<vmem>>, vector<512x768xf32>,
    return
  }
  func.func @transform_0(%arg0: i32) -> (i32, i32) {
    %c0_i32 = arith.constant 0 : i32
    %c0_i32_0 = arith.constant 0 : i32
    return %arg0, %c0_i32 : i32, i32
  }
  func.func @transform_1(%arg0: i32) -> (i32, i32) {
    %c0_i32 = arith.constant 0 : i32
    %c0_i32_0 = arith.constant 0 : i32
    return %arg0, %c0_i32 : i32, i32
  }
  func.func @transform_2(%arg0: i32) -> (i32, i32) {
    %c0_i32 = arith.constant 0 : i32
    %c0_i32_0 = arith.constant 0 : i32
    return %arg0, %c0_i32 : i32, i32
  }
}

</mosaic_0001>

<sc_bundles>
// kernel: kernel.10.cloned.1.call-start
scs
__scs_entry_jumppad:
0x0: {  	(pc) =	sbr.rel $0x88, $3  }
0x1: {  	(tag) =	ssettag $0x0;
	lr =	simm.s32 $0x1  }
0x2: {  	[smem:$0x3F9A] =	sst lr;
	_ =	strace $0xD0000000  }
0x3: {  	_ = 	snop  }
0x4: {  	_ = 	snop  }
0x5: {  	_ = 	snop  }
0x6: {  	_ = 	snop  }
0x7: {  	_ = 	snop  }
__scs_overlays_trampoline_lowered:
0x8: {  	[smem:$0x3FA9] =	sst s0  }
0x9: {  	[smem:$0x3FAA] =	sst s1  }
0xa: {  	[smem:$0x3FAB] =	sst s2  }
0xb: {  	[smem:$0x3FAC] =	sst s3  }
0xc: {  	[smem:$0x3FAD] =	sst s4  }
0xd: {  	[smem:$0x3FAE] =	sst s5  }
0xe: {  	[smem:$0x3FAF] =	sst s6  }
0xf: {  	[smem:$0x3FB0] =	sst s7  }
0x10: {  	[smem:$0x3FB1] =	sst s8  }
0x11: {  	[smem:$0x3FB2] =	sst s9;
	s0 =	simm.s32 @!p0 $0x0  }
0x12: {  	s1 =	sld [smem:$0x3F98];
	s0 =	simm.s32 @p0 $0x1  }
0x13: {  	[smem:$0x3FB3] =	sst s0;
	s0 =	simm.s32 @!p1 $0x0  }
0x14: {  	s2 =	sld [smem:$0x3F97];
	s0 =	simm.s32 @p1 $0x1  }
0x15: {  	[smem:$0x3FB4] =	sst s0;
	s0 =	simm.s32 @!p2 $0x0  }
0x16: {  	s3 =	sld [smem:$0x3FDB];
	s0 =	simm.s32 @p2 $0x1  }
0x17: {  	s4 =	simm.s32 $0x1BF5;
	[smem:$0x3FB6] =	sst s0  }
0x18: {  	s0 =	sld [smem:$0x3F99];
	_ =	swait.ge [sflag:s4], $0x0  }
0x19: {  	s7 =	sld [smem:$0x3F9A]  }
0x1a: {  	s8 =	sadd.s32 $0xFFFFE003, lr  }
0x1b: {  	s9 =	sadd.s32 $0xFFFFFEF7, lr;
	s5 =	simm.s32 $0xFFFFFFFF;
	p2 =	slt.u32 s8, $0xFFFFF086  }
0x1c: {  	p1 =	slt.u32 s9, $0xF7A;
	s5 =	simm.s32 @!p2 $0x0  }
0x1d: {  	s5 =	simm.s32 @p1 $0x1;
	p0 =	seq.s32 s7, s2  }
0x1e: {  	s7 =	smul.u32 @!p0 $0xF7A, s2;
	p2 =	seq.s32 @!p0 s5, $0x0  }
0x1f: {  	s9 =	smul.u32 $0xF7A, s1;
	s8 =	simm.s32 @!p0 $0x1BF5;
	p2 =	por !p2, p0  }
0x20: {  	[sflag:s8] =	ssyncset.s32 @!p0 $0xFFFFF086;
	s6 =	sadd.s32 @!p0 s3, s7;
	s7 =	simm.s32 @!p0 $0x108  }
0x21: {  	s3 =	sadd.s32 s3, s9;
	s6 =	sadd.s32 @!p0 $0x88, s6;
	s7 =	simm.s32 @p2 $0x1082  }
0x22: {  	[simem:s7], [sflag:s8] =	dma.local @!p0 [hbm:s6], $0xF7A  }
0x23: {  	s9 =	sor.u32 $0xD0000000, s2;
	s6 =	simm.s32 $0x108;
	_ =	swait.ge @!p0 [sflag:s8], $0x0  }
0x24: {  	s3 =	sadd.s32 $0x88, s3;
	s6 =	simm.s32 @!p1 $0x1082;
	[sflag:s4] =	ssyncset.s32 $0xFFFFF086  }
0x25: {  	[simem:s6], [sflag:s4] =	dma.local [hbm:s3], $0xF7A  }
0x26: {  	[smem:$0x3F9A] =	sst s1;
	(tag) =	ssettag s2;
	_ =	strace s9  }
0x27: {  	s1 =	sld [smem:$0x3FAA]  }
0x28: {  	s2 =	sld [smem:$0x3FAB]  }
0x29: {  	s4 =	sld [smem:$0x3FAD]  }
0x2a: {  	p0 =	seq.s32 s5, $0x0;
	s5 =	sld [smem:$0x3FAE]  }
0x2b: {  	s6 =	sld [smem:$0x3FAF]  }
0x2c: {  	s7 =	sld [smem:$0x3FB0]  }
0x2d: {  	s3 =	simm.s32 $0x108;
	s8 =	sld [smem:$0x3FB1]  }
0x2e: {  	s3 =	simm.s32 @!p0 $0x1082;
	s9 =	sld [smem:$0x3FB2]  }
0x2f: {  	lr =	sadd.s32 s0, s3;
	s0 =	sld [smem:$0x3FA9]  }
0x30: {  	s3 =	sld [smem:$0x3FAC]  }
0x31: {  	[smem:$0x3FB5] =	sst s10  }
0x32: {  	s10 =	sld [smem:$0x3FB3];
	_ =	sdelay $0x3  }
0x33: {  	p0 =	seq.s32 s10, $0x1;
	s10 =	sld [smem:$0x3FB5];
	_ =	sdelay $0x3  }
0x34: {  	[smem:$0x3FB5] =	sst s10  }
0x35: {  	s10 =	sld [smem:$0x3FB4];
	_ =	sdelay $0x3  }
0x36: {  	p1 =	seq.s32 s10, $0x1;
	s10 =	sld [smem:$0x3FB5];
	_ =	sdelay $0x3  }
0x37: {  	[smem:$0x3FB5] =	sst s10  }
0x38: {  	s10 =	sld [smem:$0x3FB6]  }
0x39: {  	_ = 	snop;
	(pc) =	sbr.ind lr, $3  }
0x3a: {  	_ = 	snop  }
0x3b: {  	_ = 	snop  }
0x3c: {  	p2 =	seq.s32 s10, $0x1;
	s10 =	sld [smem:$0x3FB5]  }
0x3d: {  	_ =	shalt  }
0x3e: {  	_ =	shalt  }
0x3f: {  	_ =	shalt  }
0x40: {  	_ =	shalt  }
0x41: {  	_ =	shalt  }
0x42: {  	_ =	shalt  }
0x43: {  	_ =	shalt  }
0x44: {  	_ =	shalt  }
0x45: {  	_ =	shalt  }
0x46: {  	_ =	shalt  }
0x47: {  	_ =	shalt  }
0x48: {  	_ =	shalt  }
0x49: {  	_ =	shalt  }
0x4a: {  	_ =	shalt  }
0x4b: {  	_ =	shalt  }
0x4c: {  	_ =	shalt  }
0x4d: {  	_ =	shalt  }
0x4e: {  	_ =	shalt  }
0x4f: {  	_ =	shalt  }
0x50: {  	_ =	shalt  }
0x51: {  	_ =	shalt  }
0x52: {  	_ =	shalt  }
0x53: {  	_ =	shalt  }
0x54: {  	_ =	shalt  }
0x55: {  	_ =	shalt  }
0x56: {  	_ =	shalt  }
0x57: {  	_ =	shalt  }
0x58: {  	_ =	shalt  }
0x59: {  	_ =	shalt  }
0x5a: {  	_ =	shalt  }
0x5b: {  	_ =	shalt  }
0x5c: {  	_ =	shalt  }
0x5d: {  	_ =	shalt  }
0x5e: {  	_ =	shalt  }
0x5f: {  	_ =	shalt  }
0x60: {  	_ =	shalt  }
0x61: {  	_ =	shalt  }
0x62: {  	_ =	shalt  }
0x63: {  	_ =	shalt  }
0x64: {  	_ =	shalt  }
0x65: {  	_ =	shalt  }
0x66: {  	_ =	shalt  }
0x67: {  	_ =	shalt  }
0x68: {  	_ =	shalt  }
0x69: {  	_ =	shalt  }
0x6a: {  	_ =	shalt  }
0x6b: {  	_ =	shalt  }
0x6c: {  	_ =	shalt  }
0x6d: {  	_ =	shalt  }
0x6e: {  	_ =	shalt  }
0x6f: {  	_ =	shalt  }
0x70: {  	_ =	shalt  }
0x71: {  	_ =	shalt  }
0x72: {  	_ =	shalt  }
0x73: {  	_ =	shalt  }
0x74: {  	_ =	shalt  }
0x75: {  	_ =	shalt  }
0x76: {  	_ =	shalt  }
0x77: {  	_ =	shalt  }
0x78: {  	_ =	shalt  }
0x79: {  	_ =	shalt  }
0x7a: {  	_ =	shalt  }
0x7b: {  	_ =	shalt  }
0x7c: {  	_ =	shalt  }
0x7d: {  	_ =	shalt  }
0x7e: {  	_ =	shalt  }
0x7f: {  	_ =	shalt  }
0x80: {  	_ =	shalt  }
0x81: {  	_ =	shalt  }
0x82: {  	_ =	shalt  }
0x83: {  	_ =	shalt  }
0x84: {  	_ =	shalt  }
0x85: {  	_ =	shalt  }
0x86: {  	_ =	shalt  }
0x87: {  	_ =	shalt  }
.Lfunc_end0:
.L_simem_size_0:
called_computation.1_lowered:
.L_overlay_start_0:
0x88: {  	s2 =	sld [smem:$0x3FD9]  }
0x89: {  	s3 =	sld [smem:$0x3FFE];
	_ =	sdelay $0x1  }
0x8a: {  	s1 =	srdreg.scid  }
0x8b: {  	s0 =	sand.u32 $0x1, s1  }
0x8c: {  	s14 =	sshll.u32 s0, $0xA;
	s2 =	sadd.s32 s3, s2  }
0x8d: {  	s2 =	sadd.s32 s2, s14  }
0x8e: {  	[smem:$0x3FC1] =	sst s2  }
0x8f: {  	_ = 	snop  }
0x90: {  	s2 =	sld [smem:$0x3FD0];
	_ =	sdelay $0x2  }
0x91: {  	s15 =	simm.s32 $0xA;
	s4 =	simm.s32 $0x10  }
0x92: {  	[smem:s4], [sflag:s15] =	dma.local [hbm:s2], $0x1  }
0x93: {  	_ =	swait.eq [sflag:s15], $0x1  }
0x94: {  	[sflag:s15] =	ssyncset.done $0x0  }
0x95: {  	[sflag:s15] =	ssyncadd.s32 $0xFFFFFFFF  }
0x96: {  	s16 =	sld [smem:$0x10];
	(tm) =	ssettm $0x1  }
0x97: {  	s17 =	sld [smem:$0x3FFB];
	_ =	sdelay $0x3  }
0x98: {  	_ =	strace s17  }
0x99: {  	s3 =	sld [smem:$0x3FFC];
	_ =	sdelay $0x3  }
0x9a: {  	_ =	strace s3  }
0x9b: {  	s3 =	sld [smem:$0x3FFD];
	_ =	sdelay $0x3  }
0x9c: {  	_ =	strace s3  }
0x9d: {  	_ =	strace $0x8FFFFFFF  }
0x9e: {  	s18 =	sld [smem:$0x3FDB];
	_ =	sdelay $0x1  }
0x9f: {  	s19 =	simm.s32 $_scs_section_size  }
0xa0: {  	s5 =	simm.s32 $_size__tile_overlayer_lowered;
	s6 =	simm.s32 $_tile_overlayer_lowered  }
0xa1: {  	s22 =	simm.s32 $0x1BFF;
	s21 =	sshll.u32 s6, $0x1;
	s3 =	sadd.s32 s19, s18  }
0xa2: {  	s7 =	simm.s32 $0x0;
	s20 =	sshll.u32 s5, $0x1;
	s5 =	sadd.s32 s21, s3  }
0xa3: {  	[timem:s7], [sflag:s22] =	dma.local [hbm:s5], s20  }
0xa4: {  	_ =	swait.ge [sflag:s22], s20  }
0xa5: {  	s4 =	ssub.s32 $0x0, s20;
	[sflag:s22] =	ssyncset.done $0x0  }
0xa6: {  	[sflag:s22] =	ssyncadd.s32 s4;
	_ =	sdelay $0x1  }
0xa7: {  	s23 =	simm.s32 $0x1B8B  }
0xa8: {  	_ =	swait.ge [sflag:s23], $0x1  }
0xa9: {  	[sflag:s23] =	ssyncset.done $0x0  }
0xaa: {  	s25 =	simm.s32 $0x1B8E;
	s24 =	sld [smem:$0x3FFE];
	[sflag:s23] =	ssyncadd.s32 $0xFFFFFFFF  }
0xab: {  	s26 =	simm.s32 $execute0_lowered;
	[smem:$0x3FD2] =	sst s25  }
0xac: {  	s5 =	sshll.u32 s26, $0x1;
	_ =	strace $0x80000049;
	[dreg:$0x1] =	wrdreg $0xFFFFFFFF  }
0xad: {  	s28 =	simm.s32 $_size_execute0_lowered;
	s3 =	sadd.s32 s3, s5;
	[dreg:$0x0] =	wrdreg $0x0  }
0xae: {  	s5 =	sshll.u32 s28, $0x1;
	[dreg:$0x2] =	wrdreg s3  }
0xaf: {  	[dreg:$0x3] =	wrdreg s5  }
0xb0: {  	[dreg:$0x4] =	wrdreg $0xC0  }
0xb1: {  	_ =	task [dreg:s7], $0x5FFFF  }
0xb2: {  	[dreg:$0x1] =	wrdreg $0xFFFFFFFF  }
0xb3: {  	[dreg:$0x0] =	wrdreg $0x60  }
0xb4: {  	[dreg:$0x2] =	wrdreg s24  }
0xb5: {  	[dreg:$0x3] =	wrdreg s16  }
0xb6: {  	[dreg:$0x4] =	wrdreg $0x9  }
0xb7: {  	_ =	task.clear_ibuf [dreg:s7], $0x5FFFF;
	_ =	strace $0x90000049  }
0xb8: {  	s29 =	simm.s32 $0x9;
	_ =	strace $0x8000004B  }
0xb9: {  	_ =	swait.ge [sflag:s29], $0x1  }
0xba: {  	[sflag:s29] =	ssyncadd.s32 $0xFFFFFFFF  }
0xbb: {  	_ =	strace $0x9000004B  }
0xbc: {  	_ =	sfence  }
0xbd: {  	s30 =	sld [smem:$0x0];
	_ =	sdelay $0x2  }
0xbe: {  	s31 =	sshll.u32 s1, $0xD;
	s1 =	sshrl.u32 s1, $0x2  }
0xbf: {  	s3 =	sand.u32 $0x4000, s31;
	s1 =	sadd.s32 s1, s30  }
0xc0: {  	s0 =	sor.u32 s3, s0;
	s1 =	sshll.u32 s1, $0x11  }
0xc1: {  	s0 =	sor.u32 s1, s0  }
0xc2: {  	s0 =	sadd.s32 $0x8F2B, s0  }
0xc3: {  	[sflag:s0] =	ssyncadd.remote.s32 $0x1  }
0xc4: {  	_ =	sfence.sel $0xFFFF  }
0xc5: {  	[dreg:$0x0] =	wrdreg $0xFFFFFFFF;
	(pc) =	sbr.abs _section_cstart, $3  }
0xc6: {  	[dreg:$0x1] =	wrdreg $0xFFFFFFFF  }
0xc7: {  	_ =	task.clear_ibuf [dreg:s7], $0x2FFFF;
	_ =	strace $0x9FFFFFFF  }
0xc8: {  	(tm) =	ssettm $0x7FFFFFFF  }
0xc9: {  	_ =	shalt  }
tec
execute0_lowered:
.L_overlay_start_1:
0x0: {  	(tag) =	ssettag $0x1  }
0x1: {  	s0 =	srdreg.scid;
	s1 =	rddreg [dreg:$0x0]  }
0x2: {  	s2 =	stileid.u32;
	s4 =	rddreg [dreg:$0x1];
	s10 =	simm.s32 $0x880  }
0x3: {  	s11 =	simm.s32 $0x1080;
	s12 =	simm.s32 $0x1880;
	s13 =	simm.s32 $0x2080  }
0x4: {  	s14 =	simm.s32 $0x2880;
	s15 =	simm.s32 $0x3080;
	s16 =	simm.s32 $0x3880  }
0x5: {  	s17 =	simm.s32 $0x4080;
	s18 =	simm.s32 $0x4880;
	s19 =	simm.s32 $0x5080  }
0x6: {  	s20 =	simm.s32 $0x5880;
	s21 =	simm.s32 $0x6080;
	s22 =	simm.s32 $0x6880  }
0x7: {  	s23 =	simm.s32 $0x7080;
	s28 =	simm.s32 $0x9080;
	s29 =	simm.s32 $0x9880  }
0x8: {  	s30 =	simm.s32 $0xA080;
	s31 =	simm.s32 $0xA880;
	s0 =	sand.u32 $0x1, s0  }
0x9: {  	s3 =	sshll.u32 s2, $0x4;
	s2 =	simm.s32 $0x0;
	s5 =	sshll.u32 s0, $0x3  }
0xa: {  	[smem:$0x7FF] =	sst s2;
	s0 =	ssub.s32 $0x2, s0;
	s3 =	sor.u32 s5, s3  }
0xb: {  	_ =	strace $0x8000004A;
	s24 =	sshrl.u32 s0, $0x1;
	s5 =	smul.u32 $0x300, s3  }
0xc: {  	s6 =	sadd.s32 s3, s1;
	s3 =	sadd.s32 $0x91400, s1;
	s0 =	ssub.s32 s0, s24  }
0xd: {  	s24 =	simm.s32 $0x7880;
	s8 =	sadd.s32 $0x91000, s6;
	s25 =	sadd.s32 $0x91200, s6  }
0xe: {  	s6 =	smax.u32 s0, $0x1;
	s0 =	simm.s32 $0x1;
	[dreg:$0x3] =	wrdreg s8  }
0xf: {  	s7 =	sadd.s32 s5, s1;
	s4 =	sadd.s32 s4, s5;
	[dreg:$0x5] =	wrdreg s25  }
0x10: {  	v2 =	vlaneseq.u32;
	s5 =	sadd.s32 $0x91600, s1;
	s25 =	simm.s32 $0x8080;
	[dreg:$0x4] =	wrdreg s4  }
0x11: {  	vm0 =	vmmov $0xffff;
	v1 =	vshrl.u32 v2, $0x3;
	s26 =	sadd.s32 $0x1000, s7;
	s4 =	sadd.s32 $0x91500, s1;
	s7 =	simm.s32 $0x2  }
0x12: {  	v0 =	vand.u32 $0x7, v2;
	v2 =	vor.u32 $0x8, v2;
	v1 =	vmul.u32 $0x8, v1;
	s1 =	simm.s32 $0x80;
	[dreg:$0x6] =	wrdreg s26;
	s26 =	simm.s32 $0x8880  }
.LBB2_1:
0x13: {  	s9 =	rddreg [dreg:$0x3]  }
0x14: {  	[tilespmem:s2], [sflag:$0x2] =	stream.linear.gather [hbm4b:s9+s2], $0x40, $0x38;
	[tilespmem:$0xC080] =	vst v63  }
0x15: {  	_ =	swait.ge [sflag:s7], $0x40  }
0x16: {  	[sflag:s7] =	ssyncset.done $0x0  }
0x17: {  	[sflag:s7] =	ssyncadd.s32 $0xFFFFFFC0  }
0x18: {  	v3 =	vld [tilespmem:$0x0];
	_ =	sdelay $0x4  }
0x19: {  	v4 =	vshrl.u32 v3, $0x3  }
0x1a: {  	v4 =	vmul.u32 $0x30, v4  }
0x1b: {  	v3 =	vand.u32 $0x7, v3  }
0x1c: {  	v3 =	vor.u32 v3, v4  }
0x1d: {  	v4 =	vperm.xlane v3, v0;
	_ =	sdelay $0x1  }
0x1e: {  	v4 =	vadd.s32 v1, v4;
	_ =	sdelay $0x3  }
0x1f: {  	v3 =	vperm.xlane v3, v2  }
0x20: {  	[tilespmem:s1], [sflag:$0x1] =	stream.indirect_vreg.gather [hbm4b:s3+s2], $0x80, v4, vm0, $0xb8;
	[tilespmem:$0xC080] =	vst v63  }
0x21: {  	v3 =	vadd.s32 v1, v3  }
0x22: {  	[tilespmem:s10], [sflag:$0x1] =	stream.indirect_vreg.gather [hbm4b:s4+s2], $0x80, v4, vm0, $0xb8;
	[tilespmem:$0xC080] =	vst v63  }
0x23: {  	_ = 	snop  }
0x24: {  	[tilespmem:s11], [sflag:$0x1] =	stream.indirect_vreg.gather [hbm4b:s5+s2], $0x80, v4, vm0, $0xb8;
	[tilespmem:$0xC080] =	vst v63  }
0x25: {  	_ = 	snop  }
0x26: {  	[tilespmem:s12], [sflag:$0x1] =	stream.indirect_vreg.gather [hbm4b:s3+s2], $0x80, v3, vm0, $0xb8;
	[tilespmem:$0xC080] =	vst v63  }
0x27: {  	_ = 	snop  }
0x28: {  	[tilespmem:s13], [sflag:$0x1] =	stream.indirect_vreg.gather [hbm4b:s4+s2], $0x80, v3, vm0, $0xb8;
	[tilespmem:$0xC080] =	vst v63  }
0x29: {  	_ = 	snop  }
0x2a: {  	[tilespmem:s14], [sflag:$0x1] =	stream.indirect_vreg.gather [hbm4b:s5+s2], $0x80, v3, vm0, $0xb8;
	[tilespmem:$0xC080] =	vst v63  }
0x2b: {  	v3 =	vld [tilespmem:$0x10];
	_ =	sdelay $0x4  }
0x2c: {  	v57 =	vshrl.u32 v3, $0x3  }
0x2d: {  	v4 =	vmul.u32 $0x30, v57  }
0x2e: {  	v3 =	vand.u32 $0x7, v3  }
0x2f: {  	v3 =	vor.u32 v3, v4  }
0x30: {  	v4 =	vperm.xlane v3, v0;
	_ =	sdelay $0x1  }
0x31: {  	v4 =	vadd.s32 v1, v4;
	_ =	sdelay $0x3  }
0x32: {  	v3 =	vperm.xlane v3, v2  }
0x33: {  	[tilespmem:s15], [sflag:$0x1] =	stream.indirect_vreg.gather [hbm4b:s3+s2], $0x80, v4, vm0, $0xb8;
	[tilespmem:$0xC080] =	vst v63  }
0x34: {  	v3 =	vadd.s32 v1, v3  }
0x35: {  	[tilespmem:s16], [sflag:$0x1] =	stream.indirect_vreg.gather [hbm4b:s4+s2], $0x80, v4, vm0, $0xb8;
	[tilespmem:$0xC080] =	vst v63  }
0x36: {  	_ = 	snop  }
0x37: {  	[tilespmem:s17], [sflag:$0x1] =	stream.indirect_vreg.gather [hbm4b:s5+s2], $0x80, v4, vm0, $0xb8;
	[tilespmem:$0xC080] =	vst v63  }
0x38: {  	_ = 	snop  }
0x39: {  	[tilespmem:s18], [sflag:$0x1] =	stream.indirect_vreg.gather [hbm4b:s3+s2], $0x80, v3, vm0, $0xb8;
	[tilespmem:$0xC080] =	vst v63  }
0x3a: {  	_ = 	snop  }
0x3b: {  	[tilespmem:s19], [sflag:$0x1] =	stream.indirect_vreg.gather [hbm4b:s4+s2], $0x80, v3, vm0, $0xb8;
	[tilespmem:$0xC080] =	vst v63  }
0x3c: {  	_ = 	snop  }
0x3d: {  	[tilespmem:s20], [sflag:$0x1] =	stream.indirect_vreg.gather [hbm4b:s5+s2], $0x80, v3, vm0, $0xb8;
	[tilespmem:$0xC080] =	vst v63  }
0x3e: {  	v3 =	vld [tilespmem:$0x20];
	_ =	sdelay $0x4  }
0x3f: {  	v58 =	vshrl.u32 v3, $0x3  }
0x40: {  	v4 =	vmul.u32 $0x30, v58  }
0x41: {  	v3 =	vand.u32 $0x7, v3  }
0x42: {  	v3 =	vor.u32 v3, v4  }
0x43: {  	v4 =	vperm.xlane v3, v0;
	_ =	sdelay $0x1  }
0x44: {  	v4 =	vadd.s32 v1, v4;
	_ =	sdelay $0x3  }
0x45: {  	v3 =	vperm.xlane v3, v2  }
0x46: {  	[tilespmem:s21], [sflag:$0x1] =	stream.indirect_vreg.gather [hbm4b:s3+s2], $0x80, v4, vm0, $0xb8;
	[tilespmem:$0xC080] =	vst v63  }
0x47: {  	v3 =	vadd.s32 v1, v3  }
0x48: {  	[tilespmem:s22], [sflag:$0x1] =	stream.indirect_vreg.gather [hbm4b:s4+s2], $0x80, v4, vm0, $0xb8;
	[tilespmem:$0xC080] =	vst v63  }
0x49: {  	_ = 	snop  }
0x4a: {  	[tilespmem:s23], [sflag:$0x1] =	stream.indirect_vreg.gather [hbm4b:s5+s2], $0x80, v4, vm0, $0xb8;
	[tilespmem:$0xC080] =	vst v63  }
0x4b: {  	_ = 	snop  }
0x4c: {  	[tilespmem:s24], [sflag:$0x1] =	stream.indirect_vreg.gather [hbm4b:s3+s2], $0x80, v3, vm0, $0xb8;
	[tilespmem:$0xC080] =	vst v63  }
0x4d: {  	_ = 	snop  }
0x4e: {  	[tilespmem:s25], [sflag:$0x1] =	stream.indirect_vreg.gather [hbm4b:s4+s2], $0x80, v3, vm0, $0xb8;
	[tilespmem:$0xC080] =	vst v63  }
0x4f: {  	_ = 	snop  }
0x50: {  	[tilespmem:s26], [sflag:$0x1] =	stream.indirect_vreg.gather [hbm4b:s5+s2], $0x80, v3, vm0, $0xb8;
	[tilespmem:$0xC080] =	vst v63  }
0x51: {  	v3 =	vld [tilespmem:$0x30];
	_ =	sdelay $0x4  }
0x52: {  	v59 =	vshrl.u32 v3, $0x3  }
0x53: {  	v4 =	vmul.u32 $0x30, v59  }
0x54: {  	v3 =	vand.u32 $0x7, v3  }
0x55: {  	v3 =	vor.u32 v3, v4  }
0x56: {  	v4 =	vperm.xlane v3, v0;
	_ =	sdelay $0x1  }
0x57: {  	v4 =	vadd.s32 v1, v4;
	_ =	sdelay $0x3  }
0x58: {  	v3 =	vperm.xlane v3, v2  }
0x59: {  	[tilespmem:s28], [sflag:$0x1] =	stream.indirect_vreg.gather [hbm4b:s3+s2], $0x80, v4, vm0, $0xb8;
	[tilespmem:$0xC080] =	vst v63  }
0x5a: {  	v3 =	vadd.s32 v1, v3  }
0x5b: {  	[tilespmem:s29], [sflag:$0x1] =	stream.indirect_vreg.gather [hbm4b:s4+s2], $0x80, v4, vm0, $0xb8;
	[tilespmem:$0xC080] =	vst v63  }
0x5c: {  	_ = 	snop  }
0x5d: {  	[tilespmem:s30], [sflag:$0x1] =	stream.indirect_vreg.gather [hbm4b:s5+s2], $0x80, v4, vm0, $0xb8;
	[tilespmem:$0xC080] =	vst v63  }
0x5e: {  	_ = 	snop  }
0x5f: {  	[tilespmem:s31], [sflag:$0x1] =	stream.indirect_vreg.gather [hbm4b:s3+s2], $0x80, v3, vm0, $0xb8;
	[tilespmem:$0xC080] =	vst v63  }
0x60: {  	s8 =	simm.s32 $0xB080  }
0x61: {  	[tilespmem:s8], [sflag:$0x1] =	stream.indirect_vreg.gather [hbm4b:s4+s2], $0x80, v3, vm0, $0xb8;
	[tilespmem:$0xC080] =	vst v63  }
0x62: {  	s8 =	simm.s32 $0xB880  }
0x63: {  	[tilespmem:s8], [sflag:$0x1] =	stream.indirect_vreg.gather [hbm4b:s5+s2], $0x80, v3, vm0, $0xb8;
	[tilespmem:$0xC080] =	vst v63  }
0x64: {  	_ =	swait.ge [sflag:s0], $0xC000  }
0x65: {  	[sflag:s0] =	ssyncset.done $0x0  }
0x66: {  	s9 =	rddreg [dreg:$0x4];
	[sflag:s0] =	ssyncadd.s32 $0xFFFF4000  }
0x67: {  	[hbm4b:s9+s2] =	stream.linear.scatter [tilespmem:s1], [sflag:$0x2], $0xC000, $0x38;
	[tilespmem:$0xC080] =	vst v63  }
0x68: {  	_ =	swait.ge [sflag:s7], $0xC000  }
0x69: {  	[sflag:s7] =	ssyncset.done $0x0  }
0x6a: {  	s9 =	rddreg [dreg:$0x5];
	[sflag:s7] =	ssyncadd.s32 $0xFFFF4000  }
0x6b: {  	[tilespmem:s2], [sflag:$0x2] =	stream.linear.gather [hbm4b:s9+s2], $0x40, $0x38;
	[tilespmem:$0xC080] =	vst v63  }
0x6c: {  	_ =	swait.ge [sflag:s7], $0x40  }
0x6d: {  	[sflag:s7] =	ssyncset.done $0x0  }
0x6e: {  	[sflag:s7] =	ssyncadd.s32 $0xFFFFFFC0  }
0x6f: {  	v3 =	vld [tilespmem:$0x0];
	_ =	sdelay $0x4  }
0x70: {  	v60 =	vshrl.u32 v3, $0x3  }
0x71: {  	v4 =	vmul.u32 $0x30, v60  }
0x72: {  	v3 =	vand.u32 $0x7, v3  }
0x73: {  	v3 =	vor.u32 v3, v4  }
0x74: {  	v4 =	vperm.xlane v3, v0;
	_ =	sdelay $0x1  }
0x75: {  	v4 =	vadd.s32 v1, v4;
	_ =	sdelay $0x3  }
0x76: {  	v3 =	vperm.xlane v3, v2  }
0x77: {  	[tilespmem:s1], [sflag:$0x1] =	stream.indirect_vreg.gather [hbm4b:s3+s2], $0x80, v4, vm0, $0xb8;
	[tilespmem:$0xC080] =	vst v63  }
0x78: {  	v3 =	vadd.s32 v1, v3  }
0x79: {  	[tilespmem:s10], [sflag:$0x1] =	stream.indirect_vreg.gather [hbm4b:s4+s2], $0x80, v4, vm0, $0xb8;
	[tilespmem:$0xC080] =	vst v63  }
0x7a: {  	_ = 	snop  }
0x7b: {  	[tilespmem:s11], [sflag:$0x1] =	stream.indirect_vreg.gather [hbm4b:s5+s2], $0x80, v4, vm0, $0xb8;
	[tilespmem:$0xC080] =	vst v63  }
0x7c: {  	_ = 	snop  }
0x7d: {  	[tilespmem:s12], [sflag:$0x1] =	stream.indirect_vreg.gather [hbm4b:s3+s2], $0x80, v3, vm0, $0xb8;
	[tilespmem:$0xC080] =	vst v63  }
0x7e: {  	_ = 	snop  }
0x7f: {  	[tilespmem:s13], [sflag:$0x1] =	stream.indirect_vreg.gather [hbm4b:s4+s2], $0x80, v3, vm0, $0xb8;
	[tilespmem:$0xC080] =	vst v63  }
0x80: {  	_ = 	snop  }
0x81: {  	[tilespmem:s14], [sflag:$0x1] =	stream.indirect_vreg.gather [hbm4b:s5+s2], $0x80, v3, vm0, $0xb8;
	[tilespmem:$0xC080] =	vst v63  }
0x82: {  	v3 =	vld [tilespmem:$0x10];
	_ =	sdelay $0x4  }
0x83: {  	v61 =	vshrl.u32 v3, $0x3  }
0x84: {  	v4 =	vmul.u32 $0x30, v61  }
0x85: {  	v3 =	vand.u32 $0x7, v3  }
0x86: {  	v3 =	vor.u32 v3, v4  }
0x87: {  	v4 =	vperm.xlane v3, v0;
	_ =	sdelay $0x1  }
0x88: {  	v4 =	vadd.s32 v1, v4;
	_ =	sdelay $0x3  }
0x89: {  	v3 =	vperm.xlane v3, v2  }
0x8a: {  	[tilespmem:s15], [sflag:$0x1] =	stream.indirect_vreg.gather [hbm4b:s3+s2], $0x80, v4, vm0, $0xb8;
	[tilespmem:$0xC080] =	vst v63  }
0x8b: {  	v3 =	vadd.s32 v1, v3  }
0x8c: {  	[tilespmem:s16], [sflag:$0x1] =	stream.indirect_vreg.gather [hbm4b:s4+s2], $0x80, v4, vm0, $0xb8;
	[tilespmem:$0xC080] =	vst v63  }
0x8d: {  	_ = 	snop  }
0x8e: {  	[tilespmem:s17], [sflag:$0x1] =	stream.indirect_vreg.gather [hbm4b:s5+s2], $0x80, v4, vm0, $0xb8;
	[tilespmem:$0xC080] =	vst v63  }
0x8f: {  	_ = 	snop  }
0x90: {  	[tilespmem:s18], [sflag:$0x1] =	stream.indirect_vreg.gather [hbm4b:s3+s2], $0x80, v3, vm0, $0xb8;
	[tilespmem:$0xC080] =	vst v63  }
0x91: {  	_ = 	snop  }
0x92: {  	[tilespmem:s19], [sflag:$0x1] =	stream.indirect_vreg.gather [hbm4b:s4+s2], $0x80, v3, vm0, $0xb8;
	[tilespmem:$0xC080] =	vst v63  }
0x93: {  	_ = 	snop  }
0x94: {  	[tilespmem:s20], [sflag:$0x1] =	stream.indirect_vreg.gather [hbm4b:s5+s2], $0x80, v3, vm0, $0xb8;
	[tilespmem:$0xC080] =	vst v63  }
0x95: {  	v3 =	vld [tilespmem:$0x20];
	_ =	sdelay $0x4  }
0x96: {  	v62 =	vshrl.u32 v3, $0x3  }
0x97: {  	v4 =	vmul.u32 $0x30, v62  }
0x98: {  	v3 =	vand.u32 $0x7, v3  }
0x99: {  	v3 =	vor.u32 v3, v4  }
0x9a: {  	v4 =	vperm.xlane v3, v0;
	_ =	sdelay $0x1  }
0x9b: {  	v4 =	vadd.s32 v1, v4;
	_ =	sdelay $0x3  }
0x9c: {  	v3 =	vperm.xlane v3, v2  }
0x9d: {  	[tilespmem:s21], [sflag:$0x1] =	stream.indirect_vreg.gather [hbm4b:s3+s2], $0x80, v4, vm0, $0xb8;
	[tilespmem:$0xC080] =	vst v63  }
0x9e: {  	v3 =	vadd.s32 v1, v3  }
0x9f: {  	[tilespmem:s22], [sflag:$0x1] =	stream.indirect_vreg.gather [hbm4b:s4+s2], $0x80, v4, vm0, $0xb8;
	[tilespmem:$0xC080] =	vst v63  }
0xa0: {  	_ = 	snop  }
0xa1: {  	[tilespmem:s23], [sflag:$0x1] =	stream.indirect_vreg.gather [hbm4b:s5+s2], $0x80, v4, vm0, $0xb8;
	[tilespmem:$0xC080] =	vst v63  }
0xa2: {  	_ = 	snop  }
0xa3: {  	[tilespmem:s24], [sflag:$0x1] =	stream.indirect_vreg.gather [hbm4b:s3+s2], $0x80, v3, vm0, $0xb8;
	[tilespmem:$0xC080] =	vst v63  }
0xa4: {  	_ = 	snop  }
0xa5: {  	[tilespmem:s25], [sflag:$0x1] =	stream.indirect_vreg.gather [hbm4b:s4+s2], $0x80, v3, vm0, $0xb8;
	[tilespmem:$0xC080] =	vst v63  }
0xa6: {  	_ = 	snop  }
0xa7: {  	[tilespmem:s26], [sflag:$0x1] =	stream.indirect_vreg.gather [hbm4b:s5+s2], $0x80, v3, vm0, $0xb8;
	[tilespmem:$0xC080] =	vst v63  }
0xa8: {  	v3 =	vld [tilespmem:$0x30];
	_ =	sdelay $0x4  }
0xa9: {  	v63 =	vshrl.u32 v3, $0x3  }
0xaa: {  	v4 =	vmul.u32 $0x30, v63  }
0xab: {  	v3 =	vand.u32 $0x7, v3  }
0xac: {  	v3 =	vor.u32 v3, v4  }
0xad: {  	v4 =	vperm.xlane v3, v0;
	_ =	sdelay $0x1  }
0xae: {  	v4 =	vadd.s32 v1, v4;
	_ =	sdelay $0x3  }
0xaf: {  	v3 =	vperm.xlane v3, v2  }
0xb0: {  	[tilespmem:s28], [sflag:$0x1] =	stream.indirect_vreg.gather [hbm4b:s3+s2], $0x80, v4, vm0, $0xb8;
	[tilespmem:$0xC080] =	vst v63  }
0xb1: {  	v3 =	vadd.s32 v1, v3  }
0xb2: {  	[tilespmem:s29], [sflag:$0x1] =	stream.indirect_vreg.gather [hbm4b:s4+s2], $0x80, v4, vm0, $0xb8;
	[tilespmem:$0xC080] =	vst v63  }
0xb3: {  	_ = 	snop  }
0xb4: {  	[tilespmem:s30], [sflag:$0x1] =	stream.indirect_vreg.gather [hbm4b:s5+s2], $0x80, v4, vm0, $0xb8;
	[tilespmem:$0xC080] =	vst v63  }
0xb5: {  	_ = 	snop  }
0xb6: {  	[tilespmem:s31], [sflag:$0x1] =	stream.indirect_vreg.gather [hbm4b:s3+s2], $0x80, v3, vm0, $0xb8;
	[tilespmem:$0xC080] =	vst v63  }
0xb7: {  	s9 =	simm.s32 $0xB080  }
0xb8: {  	[tilespmem:s9], [sflag:$0x1] =	stream.indirect_vreg.gather [hbm4b:s4+s2], $0x80, v3, vm0, $0xb8;
	[tilespmem:$0xC080] =	vst v63  }
0xb9: {  	_ = 	snop  }
0xba: {  	[tilespmem:s8], [sflag:$0x1] =	stream.indirect_vreg.gather [hbm4b:s5+s2], $0x80, v3, vm0, $0xb8;
	[tilespmem:$0xC080] =	vst v63  }
0xbb: {  	_ =	swait.ge [sflag:s0], $0xC000  }
0xbc: {  	p0 =	sne.s32 s6, $0x1;
	[sflag:s0] =	ssyncset.done $0x0  }
.Ltmp0:
0xbd: {  	s8 =	rddreg [dreg:$0x6];
	[sflag:s0] =	ssyncadd.s32 $0xFFFF4000;
	(pc) =	sbr.rel @p0 .LBB2_1-.Ltmp0, $4  }
0xbe: {  	[hbm4b:s8+s2] =	stream.linear.scatter [tilespmem:s1], [sflag:$0x2], $0xC000, $0x38;
	[tilespmem:$0xC080] =	vst v63  }
0xbf: {  	_ =	swait.ge [sflag:s7], $0xC000  }
0xc0: {  	[sflag:s7] =	ssyncset.done $0x0  }
0xc1: {  	s6 =	sadd.s32 $0xFFFFFFFF, s6;
	[sflag:s7] =	ssyncadd.s32 $0xFFFF4000  }
0xc2: {  	_ =	sfence.sel $0x180000  }
0xc3: {  	[bflag:$0x0] =	sbarrier.arrive $0xFFFF  }
0xc4: {  	_ =	strace $0x9000004A  }
0xc5: {  	s0 =	stileid.u32;
	[bflag:$0x2] =	sbarrier.arrive $0xFFFF  }
0xc6: {  	p0 =	sne.s32 s0, $0x0;
	s0 =	rddreg [dreg:$0x2]  }
0xc7: {  	s0 =	sadd.s32 @!p0 $0x100000, s0  }
0xc8: {  	[sflag:s0] =	ssyncadd.tile.s32 @!p0 $0x1;
	_ =	shalt  }
.Lfunc_end2:
_tile_overlayer_lowered:
.L_overlay_start_2:
0xc9: {  	(tag) =	ssettag $0x2  }
0xca: {  	s0 =	rddreg [dreg:$0x0];
	s2 =	stileid.u32  }
0xcb: {  	s1 =	rddreg [dreg:$0x1];
	p0 =	sne.s32 s2, $0x0  }
0xcc: {  	s3 =	rddreg [dreg:$0x2];
	[bflag:$0x3] =	sbarrier.arrive $0xFFFF;
	s2 =	simm.s32 @!p0 $0x1C02  }
0xcd: {  	[timem:s3], [sflag:s2] =	dma.local @!p0 [hbm:s0], s1  }
0xce: {  	s0 =	simm.s32 @!p0 $0x2  }
0xcf: {  	_ =	swait.ge @!p0 [sflag:s0], s1  }
0xd0: {  	s1 =	ssub.s32 @!p0 $0x0, s1;
	[sflag:s0] =	ssyncset.done @!p0 $0x0  }
0xd1: {  	[sflag:s0] =	ssyncadd.s32 @!p0 s1  }
0xd2: {  	[bflag:$0x3] =	sbarrier.arrive $0xFFFF  }
0xd3: {  	_ =	shalt  }

// kernel: kernel.7.cloned.1.call-start
scs
__scs_entry_jumppad:
0x0: {  	(pc) =	sbr.rel $0x88, $3  }
0x1: {  	(tag) =	ssettag $0x0;
	lr =	simm.s32 $0x1  }
0x2: {  	[smem:$0x3F9A] =	sst lr;
	_ =	strace $0xD0000000  }
0x3: {  	_ = 	snop  }
0x4: {  	_ = 	snop  }
0x5: {  	_ = 	snop  }
0x6: {  	_ = 	snop  }
0x7: {  	_ = 	snop  }
__scs_overlays_trampoline_lowered:
0x8: {  	[smem:$0x3FA9] =	sst s0  }
0x9: {  	[smem:$0x3FAA] =	sst s1  }
0xa: {  	[smem:$0x3FAB] =	sst s2  }
0xb: {  	[smem:$0x3FAC] =	sst s3  }
0xc: {  	[smem:$0x3FAD] =	sst s4  }
0xd: {  	[smem:$0x3FAE] =	sst s5  }
0xe: {  	[smem:$0x3FAF] =	sst s6  }
0xf: {  	[smem:$0x3FB0] =	sst s7  }
0x10: {  	[smem:$0x3FB1] =	sst s8  }
0x11: {  	[smem:$0x3FB2] =	sst s9;
	s0 =	simm.s32 @!p0 $0x0  }
0x12: {  	s1 =	sld [smem:$0x3F98];
	s0 =	simm.s32 @p0 $0x1  }
0x13: {  	[smem:$0x3FB3] =	sst s0;
	s0 =	simm.s32 @!p1 $0x0  }
0x14: {  	s2 =	sld [smem:$0x3F97];
	s0 =	simm.s32 @p1 $0x1  }
0x15: {  	[smem:$0x3FB4] =	sst s0;
	s0 =	simm.s32 @!p2 $0x0  }
0x16: {  	s3 =	sld [smem:$0x3FDB];
	s0 =	simm.s32 @p2 $0x1  }
0x17: {  	s4 =	simm.s32 $0x1BF5;
	[smem:$0x3FB6] =	sst s0  }
0x18: {  	s0 =	sld [smem:$0x3F99];
	_ =	swait.ge [sflag:s4], $0x0  }
0x19: {  	s7 =	sld [smem:$0x3F9A]  }
0x1a: {  	s8 =	sadd.s32 $0xFFFFE003, lr  }
0x1b: {  	s9 =	sadd.s32 $0xFFFFFEF7, lr;
	s5 =	simm.s32 $0xFFFFFFFF;
	p2 =	slt.u32 s8, $0xFFFFF086  }
0x1c: {  	p1 =	slt.u32 s9, $0xF7A;
	s5 =	simm.s32 @!p2 $0x0  }
0x1d: {  	s5 =	simm.s32 @p1 $0x1;
	p0 =	seq.s32 s7, s2  }
0x1e: {  	s7 =	smul.u32 @!p0 $0xF7A, s2;
	p2 =	seq.s32 @!p0 s5, $0x0  }
0x1f: {  	s9 =	smul.u32 $0xF7A, s1;
	s8 =	simm.s32 @!p0 $0x1BF5;
	p2 =	por !p2, p0  }
0x20: {  	[sflag:s8] =	ssyncset.s32 @!p0 $0xFFFFF086;
	s6 =	sadd.s32 @!p0 s3, s7;
	s7 =	simm.s32 @!p0 $0x108  }
0x21: {  	s3 =	sadd.s32 s3, s9;
	s6 =	sadd.s32 @!p0 $0x88, s6;
	s7 =	simm.s32 @p2 $0x1082  }
0x22: {  	[simem:s7], [sflag:s8] =	dma.local @!p0 [hbm:s6], $0xF7A  }
0x23: {  	s9 =	sor.u32 $0xD0000000, s2;
	s6 =	simm.s32 $0x108;
	_ =	swait.ge @!p0 [sflag:s8], $0x0  }
0x24: {  	s3 =	sadd.s32 $0x88, s3;
	s6 =	simm.s32 @!p1 $0x1082;
	[sflag:s4] =	ssyncset.s32 $0xFFFFF086  }
0x25: {  	[simem:s6], [sflag:s4] =	dma.local [hbm:s3], $0xF7A  }
0x26: {  	[smem:$0x3F9A] =	sst s1;
	(tag) =	ssettag s2;
	_ =	strace s9  }
0x27: {  	s1 =	sld [smem:$0x3FAA]  }
0x28: {  	s2 =	sld [smem:$0x3FAB]  }
0x29: {  	s4 =	sld [smem:$0x3FAD]  }
0x2a: {  	p0 =	seq.s32 s5, $0x0;
	s5 =	sld [smem:$0x3FAE]  }
0x2b: {  	s6 =	sld [smem:$0x3FAF]  }
0x2c: {  	s7 =	sld [smem:$0x3FB0]  }
0x2d: {  	s3 =	simm.s32 $0x108;
	s8 =	sld [smem:$0x3FB1]  }
0x2e: {  	s3 =	simm.s32 @!p0 $0x1082;
	s9 =	sld [smem:$0x3FB2]  }
0x2f: {  	lr =	sadd.s32 s0, s3;
	s0 =	sld [smem:$0x3FA9]  }
0x30: {  	s3 =	sld [smem:$0x3FAC]  }
0x31: {  	[smem:$0x3FB5] =	sst s10  }
0x32: {  	s10 =	sld [smem:$0x3FB3];
	_ =	sdelay $0x3  }
0x33: {  	p0 =	seq.s32 s10, $0x1;
	s10 =	sld [smem:$0x3FB5];
	_ =	sdelay $0x3  }
0x34: {  	[smem:$0x3FB5] =	sst s10  }
0x35: {  	s10 =	sld [smem:$0x3FB4];
	_ =	sdelay $0x3  }
0x36: {  	p1 =	seq.s32 s10, $0x1;
	s10 =	sld [smem:$0x3FB5];
	_ =	sdelay $0x3  }
0x37: {  	[smem:$0x3FB5] =	sst s10  }
0x38: {  	s10 =	sld [smem:$0x3FB6]  }
0x39: {  	_ = 	snop;
	(pc) =	sbr.ind lr, $3  }
0x3a: {  	_ = 	snop  }
0x3b: {  	_ = 	snop  }
0x3c: {  	p2 =	seq.s32 s10, $0x1;
	s10 =	sld [smem:$0x3FB5]  }
0x3d: {  	_ =	shalt  }
0x3e: {  	_ =	shalt  }
0x3f: {  	_ =	shalt  }
0x40: {  	_ =	shalt  }
0x41: {  	_ =	shalt  }
0x42: {  	_ =	shalt  }
0x43: {  	_ =	shalt  }
0x44: {  	_ =	shalt  }
0x45: {  	_ =	shalt  }
0x46: {  	_ =	shalt  }
0x47: {  	_ =	shalt  }
0x48: {  	_ =	shalt  }
0x49: {  	_ =	shalt  }
0x4a: {  	_ =	shalt  }
0x4b: {  	_ =	shalt  }
0x4c: {  	_ =	shalt  }
0x4d: {  	_ =	shalt  }
0x4e: {  	_ =	shalt  }
0x4f: {  	_ =	shalt  }
0x50: {  	_ =	shalt  }
0x51: {  	_ =	shalt  }
0x52: {  	_ =	shalt  }
0x53: {  	_ =	shalt  }
0x54: {  	_ =	shalt  }
0x55: {  	_ =	shalt  }
0x56: {  	_ =	shalt  }
0x57: {  	_ =	shalt  }
0x58: {  	_ =	shalt  }
0x59: {  	_ =	shalt  }
0x5a: {  	_ =	shalt  }
0x5b: {  	_ =	shalt  }
0x5c: {  	_ =	shalt  }
0x5d: {  	_ =	shalt  }
0x5e: {  	_ =	shalt  }
0x5f: {  	_ =	shalt  }
0x60: {  	_ =	shalt  }
0x61: {  	_ =	shalt  }
0x62: {  	_ =	shalt  }
0x63: {  	_ =	shalt  }
0x64: {  	_ =	shalt  }
0x65: {  	_ =	shalt  }
0x66: {  	_ =	shalt  }
0x67: {  	_ =	shalt  }
0x68: {  	_ =	shalt  }
0x69: {  	_ =	shalt  }
0x6a: {  	_ =	shalt  }
0x6b: {  	_ =	shalt  }
0x6c: {  	_ =	shalt  }
0x6d: {  	_ =	shalt  }
0x6e: {  	_ =	shalt  }
0x6f: {  	_ =	shalt  }
0x70: {  	_ =	shalt  }
0x71: {  	_ =	shalt  }
0x72: {  	_ =	shalt  }
0x73: {  	_ =	shalt  }
0x74: {  	_ =	shalt  }
0x75: {  	_ =	shalt  }
0x76: {  	_ =	shalt  }
0x77: {  	_ =	shalt  }
0x78: {  	_ =	shalt  }
0x79: {  	_ =	shalt  }
0x7a: {  	_ =	shalt  }
0x7b: {  	_ =	shalt  }
0x7c: {  	_ =	shalt  }
0x7d: {  	_ =	shalt  }
0x7e: {  	_ =	shalt  }
0x7f: {  	_ =	shalt  }
0x80: {  	_ =	shalt  }
0x81: {  	_ =	shalt  }
0x82: {  	_ =	shalt  }
0x83: {  	_ =	shalt  }
0x84: {  	_ =	shalt  }
0x85: {  	_ =	shalt  }
0x86: {  	_ =	shalt  }
0x87: {  	_ =	shalt  }
.Lfunc_end0:
.L_simem_size_0:
called_computation_lowered:
.L_overlay_start_0:
0x88: {  	s2 =	sld [smem:$0x3FD9]  }
0x89: {  	s3 =	sld [smem:$0x3FFE];
	_ =	sdelay $0x1  }
0x8a: {  	s1 =	srdreg.scid  }
0x8b: {  	s0 =	sand.u32 $0x1, s1  }
0x8c: {  	s14 =	sshll.u32 s0, $0xA;
	s2 =	sadd.s32 s3, s2  }
0x8d: {  	s2 =	sadd.s32 s2, s14  }
0x8e: {  	[smem:$0x3FC1] =	sst s2  }
0x8f: {  	_ = 	snop  }
0x90: {  	s2 =	sld [smem:$0x3FD0];
	_ =	sdelay $0x2  }
0x91: {  	s4 =	simm.s32 $0xA;
	s5 =	simm.s32 $0x10;
	s15 =	sld [smem:$0x3FC9]  }
0x92: {  	[smem:s5], [sflag:s4] =	dma.local [hbm:s2], $0x1  }
0x93: {  	_ =	swait.eq [sflag:s4], $0x1  }
0x94: {  	[sflag:s4] =	ssyncset.done $0x0  }
0x95: {  	[sflag:s4] =	ssyncadd.s32 $0xFFFFFFFF  }
0x96: {  	s16 =	sld [smem:$0x11];
	(tm) =	ssettm $0x1  }
0x97: {  	s17 =	sld [smem:$0x3FFB];
	_ =	sdelay $0x3  }
0x98: {  	_ =	strace s17  }
0x99: {  	s4 =	sld [smem:$0x3FFC];
	_ =	sdelay $0x3  }
0x9a: {  	_ =	strace s4  }
0x9b: {  	s4 =	sld [smem:$0x3FFD];
	_ =	sdelay $0x3  }
0x9c: {  	_ =	strace s4  }
0x9d: {  	_ =	strace $0x8FFFFFFF  }
0x9e: {  	s18 =	sld [smem:$0x3FDB];
	_ =	sdelay $0x1  }
0x9f: {  	s19 =	simm.s32 $_scs_section_size  }
0xa0: {  	s6 =	simm.s32 $_size__tile_overlayer_lowered;
	s7 =	simm.s32 $_tile_overlayer_lowered  }
0xa1: {  	s22 =	simm.s32 $0x1BFF;
	s21 =	sshll.u32 s7, $0x1;
	s4 =	sadd.s32 s19, s18  }
0xa2: {  	s8 =	simm.s32 $0x0;
	s20 =	sshll.u32 s6, $0x1;
	s6 =	sadd.s32 s21, s4  }
0xa3: {  	[timem:s8], [sflag:s22] =	dma.local [hbm:s6], s20  }
0xa4: {  	_ =	swait.ge [sflag:s22], s20  }
0xa5: {  	s5 =	ssub.s32 $0x0, s20;
	[sflag:s22] =	ssyncset.done $0x0  }
0xa6: {  	[sflag:s22] =	ssyncadd.s32 s5;
	_ =	sdelay $0x1  }
0xa7: {  	s23 =	simm.s32 $0x1B8B  }
0xa8: {  	_ =	swait.ge [sflag:s23], $0x1  }
0xa9: {  	[sflag:s23] =	ssyncset.done $0x0  }
0xaa: {  	s25 =	simm.s32 $0x1B8E;
	s24 =	sld [smem:$0x3FFE];
	[sflag:s23] =	ssyncadd.s32 $0xFFFFFFFF  }
0xab: {  	s26 =	simm.s32 $execute0_lowered;
	[smem:$0x3FD2] =	sst s25  }
0xac: {  	s6 =	sshll.u32 s26, $0x1;
	_ =	strace $0x80000046;
	[dreg:$0x1] =	wrdreg $0xFFFFFFFF  }
0xad: {  	s28 =	simm.s32 $_size_execute0_lowered;
	s4 =	sadd.s32 s4, s6;
	[dreg:$0x0] =	wrdreg $0x0  }
0xae: {  	s6 =	sshll.u32 s28, $0x1;
	[dreg:$0x2] =	wrdreg s4  }
0xaf: {  	[dreg:$0x3] =	wrdreg s6  }
0xb0: {  	[dreg:$0x4] =	wrdreg $0xC0  }
0xb1: {  	_ =	task [dreg:s8], $0x5FFFF  }
0xb2: {  	[dreg:$0x1] =	wrdreg $0xFFFFFFFF  }
0xb3: {  	[dreg:$0x0] =	wrdreg $0x60  }
0xb4: {  	[dreg:$0x2] =	wrdreg s15  }
0xb5: {  	[dreg:$0x3] =	wrdreg s16  }
0xb6: {  	[dreg:$0x4] =	wrdreg s24  }
0xb7: {  	[dreg:$0x5] =	wrdreg $0x9  }
0xb8: {  	_ =	task.clear_ibuf [dreg:s8], $0x6FFFF;
	_ =	strace $0x90000046  }
0xb9: {  	s29 =	simm.s32 $0x9;
	_ =	strace $0x80000048  }
0xba: {  	_ =	swait.ge [sflag:s29], $0x1  }
0xbb: {  	[sflag:s29] =	ssyncadd.s32 $0xFFFFFFFF  }
0xbc: {  	_ =	strace $0x90000048  }
0xbd: {  	_ =	sfence  }
0xbe: {  	s30 =	sld [smem:$0x0];
	_ =	sdelay $0x2  }
0xbf: {  	s31 =	sshll.u32 s1, $0xD;
	s1 =	sshrl.u32 s1, $0x2  }
0xc0: {  	s3 =	sand.u32 $0x4000, s31;
	s1 =	sadd.s32 s1, s30  }
0xc1: {  	s0 =	sor.u32 s3, s0;
	s1 =	sshll.u32 s1, $0x11  }
0xc2: {  	s0 =	sor.u32 s1, s0  }
0xc3: {  	s0 =	sadd.s32 $0x8F2B, s0  }
0xc4: {  	[sflag:s0] =	ssyncadd.remote.s32 $0x1  }
0xc5: {  	_ =	sfence.sel $0xFFFF  }
0xc6: {  	[dreg:$0x0] =	wrdreg $0xFFFFFFFF;
	(pc) =	sbr.abs _section_cstart, $3  }
0xc7: {  	[dreg:$0x1] =	wrdreg $0xFFFFFFFF  }
0xc8: {  	_ =	task.clear_ibuf [dreg:s8], $0x2FFFF;
	_ =	strace $0x9FFFFFFF  }
0xc9: {  	(tm) =	ssettm $0x7FFFFFFF  }
tec
execute0_lowered:
.L_overlay_start_1:
0x0: {  	(tag) =	ssettag $0x1  }
0x1: {  	s2 =	rddreg [dreg:$0x0]  }
0x2: {  	s0 =	srdreg.scid;
	s4 =	rddreg [dreg:$0x1]  }
0x3: {  	s1 =	stileid.u32;
	s5 =	rddreg [dreg:$0x2];
	s3 =	simm.s32 $0x0  }
0x4: {  	s7 =	simm.s32 $0x2;
	s20 =	simm.s32 $0x1;
	s22 =	simm.s32 $0x900  }
0x5: {  	s23 =	simm.s32 $0x1100;
	s28 =	simm.s32 $0x3100;
	s29 =	simm.s32 $0x3900  }
0x6: {  	s30 =	simm.s32 $0x4100;
	s31 =	simm.s32 $0x4900;
	s9 =	simm.s32 $0x6100  }
0x7: {  	s10 =	simm.s32 $0x6900;
	s11 =	simm.s32 $0x7100;
	s12 =	simm.s32 $0x7900  }
0x8: {  	s13 =	simm.s32 $0x8100;
	s0 =	sand.u32 $0x1, s0;
	s1 =	sshll.u32 s1, $0x1  }
0x9: {  	s14 =	simm.s32 $0x8900;
	s15 =	simm.s32 $0x9100;
	s1 =	sor.u32 s0, s1  }
0xa: {  	s16 =	simm.s32 $0x9900;
	s17 =	simm.s32 $0xA100;
	s1 =	smul.u32 $0xC0, s1  }
0xb: {  	s18 =	simm.s32 $0xA900;
	s19 =	simm.s32 $0xB100;
	s8 =	simm.s32 $0xB900  }
0xc: {  	[smem:$0x7FF] =	sst s3;
	s0 =	ssub.s32 $0x2, s0;
	s1 =	sshrl.u32 s1, $0x3  }
0xd: {  	_ =	strace $0x80000047;
	s24 =	sshrl.u32 s0, $0x1;
	s6 =	smul.u32 $0x300, s1  }
0xe: {  	s0 =	ssub.s32 s0, s24;
	s24 =	simm.s32 $0x1900;
	s1 =	sadd.s32 s4, s1  }
0xf: {  	s4 =	sadd.s32 $0x100, s2;
	[dreg:$0x4] =	wrdreg s1;
	s5 =	sadd.s32 s6, s5  }
0x10: {  	v2 =	vlaneseq.u32;
	s1 =	simm.s32 $0x5100;
	s6 =	smax.u32 s0, $0x1;
	s25 =	sadd.s32 $0x1000, s5  }
0x11: {  	vm0 =	vmmov $0xffff;
	v1 =	vshrl.u32 v2, $0x3;
	s26 =	sadd.s32 $0x3400, s5;
	s5 =	sadd.s32 $0x200, s2;
	[dreg:$0x5] =	wrdreg s25  }
0x12: {  	v0 =	vand.u32 $0x7, v2;
	v2 =	vor.u32 $0x8, v2;
	v1 =	vmul.u32 $0x8, v1;
	[dreg:$0x6] =	wrdreg s26;
	s25 =	simm.s32 $0x2100;
	s26 =	simm.s32 $0x2900  }
.LBB2_1:
0x13: {  	s21 =	rddreg [dreg:$0x4]  }
0x14: {  	[tilespmem:s3], [sflag:$0x2] =	stream.linear.gather [hbm4b:s21+s3], $0xC0, $0x38;
	[tilespmem:$0x12100] =	vst v63  }
0x15: {  	_ =	swait.ge [sflag:s7], $0xC0  }
0x16: {  	[sflag:s7] =	ssyncset.done $0x0  }
0x17: {  	[sflag:s7] =	ssyncadd.s32 $0xFFFFFF40  }
0x18: {  	v3 =	vld [tilespmem:$0x0];
	_ =	sdelay $0x4  }
0x19: {  	v4 =	vshrl.u32 v3, $0x3  }
0x1a: {  	v4 =	vmul.u32 $0x30, v4  }
0x1b: {  	v3 =	vand.u32 $0x7, v3  }
0x1c: {  	v3 =	vor.u32 v3, v4  }
0x1d: {  	v4 =	vperm.xlane v3, v0;
	_ =	sdelay $0x1  }
0x1e: {  	v4 =	vadd.s32 v1, v4;
	_ =	sdelay $0x3  }
0x1f: {  	s0 =	simm.s32 $0x100;
	v3 =	vperm.xlane v3, v2  }
0x20: {  	[tilespmem:s0], [sflag:$0x1] =	stream.indirect_vreg.gather [hbm4b:s2+s3], $0x80, v4, vm0, $0xb8;
	[tilespmem:$0x12100] =	vst v63  }
0x21: {  	v3 =	vadd.s32 v1, v3  }
0x22: {  	[tilespmem:s22], [sflag:$0x1] =	stream.indirect_vreg.gather [hbm4b:s4+s3], $0x80, v4, vm0, $0xb8;
	[tilespmem:$0x12100] =	vst v63  }
0x23: {  	_ = 	snop  }
0x24: {  	[tilespmem:s23], [sflag:$0x1] =	stream.indirect_vreg.gather [hbm4b:s5+s3], $0x80, v4, vm0, $0xb8;
	[tilespmem:$0x12100] =	vst v63  }
0x25: {  	_ = 	snop  }
0x26: {  	[tilespmem:s24], [sflag:$0x1] =	stream.indirect_vreg.gather [hbm4b:s2+s3], $0x80, v3, vm0, $0xb8;
	[tilespmem:$0x12100] =	vst v63  }
0x27: {  	_ = 	snop  }
0x28: {  	[tilespmem:s25], [sflag:$0x1] =	stream.indirect_vreg.gather [hbm4b:s4+s3], $0x80, v3, vm0, $0xb8;
	[tilespmem:$0x12100] =	vst v63  }
0x29: {  	_ = 	snop  }
0x2a: {  	[tilespmem:s26], [sflag:$0x1] =	stream.indirect_vreg.gather [hbm4b:s5+s3], $0x80, v3, vm0, $0xb8;
	[tilespmem:$0x12100] =	vst v63  }
0x2b: {  	v3 =	vld [tilespmem:$0x10];
	_ =	sdelay $0x4  }
0x2c: {  	v53 =	vshrl.u32 v3, $0x3  }
0x2d: {  	v4 =	vmul.u32 $0x30, v53  }
0x2e: {  	v3 =	vand.u32 $0x7, v3  }
0x2f: {  	v3 =	vor.u32 v3, v4  }
0x30: {  	v4 =	vperm.xlane v3, v0;
	_ =	sdelay $0x1  }
0x31: {  	v4 =	vadd.s32 v1, v4;
	_ =	sdelay $0x3  }
0x32: {  	v3 =	vperm.xlane v3, v2  }
0x33: {  	[tilespmem:s28], [sflag:$0x1] =	stream.indirect_vreg.gather [hbm4b:s2+s3], $0x80, v4, vm0, $0xb8;
	[tilespmem:$0x12100] =	vst v63  }
0x34: {  	v3 =	vadd.s32 v1, v3  }
0x35: {  	[tilespmem:s29], [sflag:$0x1] =	stream.indirect_vreg.gather [hbm4b:s4+s3], $0x80, v4, vm0, $0xb8;
	[tilespmem:$0x12100] =	vst v63  }
0x36: {  	_ = 	snop  }
0x37: {  	[tilespmem:s30], [sflag:$0x1] =	stream.indirect_vreg.gather [hbm4b:s5+s3], $0x80, v4, vm0, $0xb8;
	[tilespmem:$0x12100] =	vst v63  }
0x38: {  	_ = 	snop  }
0x39: {  	[tilespmem:s31], [sflag:$0x1] =	stream.indirect_vreg.gather [hbm4b:s2+s3], $0x80, v3, vm0, $0xb8;
	[tilespmem:$0x12100] =	vst v63  }
0x3a: {  	_ = 	snop  }
0x3b: {  	[tilespmem:s1], [sflag:$0x1] =	stream.indirect_vreg.gather [hbm4b:s4+s3], $0x80, v3, vm0, $0xb8;
	[tilespmem:$0x12100] =	vst v63  }
0x3c: {  	s21 =	simm.s32 $0x5900  }
0x3d: {  	[tilespmem:s21], [sflag:$0x1] =	stream.indirect_vreg.gather [hbm4b:s5+s3], $0x80, v3, vm0, $0xb8;
	[tilespmem:$0x12100] =	vst v63  }
0x3e: {  	v3 =	vld [tilespmem:$0x20];
	_ =	sdelay $0x4  }
0x3f: {  	v54 =	vshrl.u32 v3, $0x3  }
0x40: {  	v4 =	vmul.u32 $0x30, v54  }
0x41: {  	v3 =	vand.u32 $0x7, v3  }
0x42: {  	v3 =	vor.u32 v3, v4  }
0x43: {  	v4 =	vperm.xlane v3, v0;
	_ =	sdelay $0x1  }
0x44: {  	v4 =	vadd.s32 v1, v4;
	_ =	sdelay $0x3  }
0x45: {  	v3 =	vperm.xlane v3, v2  }
0x46: {  	[tilespmem:s9], [sflag:$0x1] =	stream.indirect_vreg.gather [hbm4b:s2+s3], $0x80, v4, vm0, $0xb8;
	[tilespmem:$0x12100] =	vst v63  }
0x47: {  	v3 =	vadd.s32 v1, v3  }
0x48: {  	[tilespmem:s10], [sflag:$0x1] =	stream.indirect_vreg.gather [hbm4b:s4+s3], $0x80, v4, vm0, $0xb8;
	[tilespmem:$0x12100] =	vst v63  }
0x49: {  	_ = 	snop  }
0x4a: {  	[tilespmem:s11], [sflag:$0x1] =	stream.indirect_vreg.gather [hbm4b:s5+s3], $0x80, v4, vm0, $0xb8;
	[tilespmem:$0x12100] =	vst v63  }
0x4b: {  	_ = 	snop  }
0x4c: {  	[tilespmem:s12], [sflag:$0x1] =	stream.indirect_vreg.gather [hbm4b:s2+s3], $0x80, v3, vm0, $0xb8;
	[tilespmem:$0x12100] =	vst v63  }
0x4d: {  	_ = 	snop  }
0x4e: {  	[tilespmem:s13], [sflag:$0x1] =	stream.indirect_vreg.gather [hbm4b:s4+s3], $0x80, v3, vm0, $0xb8;
	[tilespmem:$0x12100] =	vst v63  }
0x4f: {  	_ = 	snop  }
0x50: {  	[tilespmem:s14], [sflag:$0x1] =	stream.indirect_vreg.gather [hbm4b:s5+s3], $0x80, v3, vm0, $0xb8;
	[tilespmem:$0x12100] =	vst v63  }
0x51: {  	v3 =	vld [tilespmem:$0x30];
	_ =	sdelay $0x4  }
0x52: {  	v55 =	vshrl.u32 v3, $0x3  }
0x53: {  	v4 =	vmul.u32 $0x30, v55  }
0x54: {  	v3 =	vand.u32 $0x7, v3  }
0x55: {  	v3 =	vor.u32 v3, v4  }
0x56: {  	v4 =	vperm.xlane v3, v0;
	_ =	sdelay $0x1  }
0x57: {  	v4 =	vadd.s32 v1, v4;
	_ =	sdelay $0x3  }
0x58: {  	v3 =	vperm.xlane v3, v2  }
0x59: {  	[tilespmem:s15], [sflag:$0x1] =	stream.indirect_vreg.gather [hbm4b:s2+s3], $0x80, v4, vm0, $0xb8;
	[tilespmem:$0x12100] =	vst v63  }
0x5a: {  	v3 =	vadd.s32 v1, v3  }
0x5b: {  	[tilespmem:s16], [sflag:$0x1] =	stream.indirect_vreg.gather [hbm4b:s4+s3], $0x80, v4, vm0, $0xb8;
	[tilespmem:$0x12100] =	vst v63  }
0x5c: {  	_ = 	snop  }
0x5d: {  	[tilespmem:s17], [sflag:$0x1] =	stream.indirect_vreg.gather [hbm4b:s5+s3], $0x80, v4, vm0, $0xb8;
	[tilespmem:$0x12100] =	vst v63  }
0x5e: {  	_ = 	snop  }
0x5f: {  	[tilespmem:s18], [sflag:$0x1] =	stream.indirect_vreg.gather [hbm4b:s2+s3], $0x80, v3, vm0, $0xb8;
	[tilespmem:$0x12100] =	vst v63  }
0x60: {  	_ = 	snop  }
0x61: {  	[tilespmem:s19], [sflag:$0x1] =	stream.indirect_vreg.gather [hbm4b:s4+s3], $0x80, v3, vm0, $0xb8;
	[tilespmem:$0x12100] =	vst v63  }
0x62: {  	_ = 	snop  }
0x63: {  	[tilespmem:s8], [sflag:$0x1] =	stream.indirect_vreg.gather [hbm4b:s5+s3], $0x80, v3, vm0, $0xb8;
	[tilespmem:$0x12100] =	vst v63  }
0x64: {  	v3 =	vld [tilespmem:$0x40];
	_ =	sdelay $0x4  }
0x65: {  	v56 =	vshrl.u32 v3, $0x3  }
0x66: {  	v4 =	vmul.u32 $0x30, v56  }
0x67: {  	v3 =	vand.u32 $0x7, v3  }
0x68: {  	v3 =	vor.u32 v3, v4  }
0x69: {  	v4 =	vperm.xlane v3, v0;
	_ =	sdelay $0x1  }
0x6a: {  	v4 =	vadd.s32 v1, v4;
	_ =	sdelay $0x3  }
0x6b: {  	s21 =	simm.s32 $0xC100;
	v3 =	vperm.xlane v3, v2  }
0x6c: {  	[tilespmem:s21], [sflag:$0x1] =	stream.indirect_vreg.gather [hbm4b:s2+s3], $0x80, v4, vm0, $0xb8;
	[tilespmem:$0x12100] =	vst v63  }
0x6d: {  	v3 =	vadd.s32 v1, v3;
	s21 =	simm.s32 $0xC900  }
0x6e: {  	[tilespmem:s21], [sflag:$0x1] =	stream.indirect_vreg.gather [hbm4b:s4+s3], $0x80, v4, vm0, $0xb8;
	[tilespmem:$0x12100] =	vst v63  }
0x6f: {  	s21 =	simm.s32 $0xD100  }
0x70: {  	[tilespmem:s21], [sflag:$0x1] =	stream.indirect_vreg.gather [hbm4b:s5+s3], $0x80, v4, vm0, $0xb8;
	[tilespmem:$0x12100] =	vst v63  }
0x71: {  	s21 =	simm.s32 $0xD900  }
0x72: {  	[tilespmem:s21], [sflag:$0x1] =	stream.indirect_vreg.gather [hbm4b:s2+s3], $0x80, v3, vm0, $0xb8;
	[tilespmem:$0x12100] =	vst v63  }
0x73: {  	s21 =	simm.s32 $0xE100  }
0x74: {  	[tilespmem:s21], [sflag:$0x1] =	stream.indirect_vreg.gather [hbm4b:s4+s3], $0x80, v3, vm0, $0xb8;
	[tilespmem:$0x12100] =	vst v63  }
0x75: {  	s21 =	simm.s32 $0xE900  }
0x76: {  	[tilespmem:s21], [sflag:$0x1] =	stream.indirect_vreg.gather [hbm4b:s5+s3], $0x80, v3, vm0, $0xb8;
	[tilespmem:$0x12100] =	vst v63  }
0x77: {  	v3 =	vld [tilespmem:$0x50];
	_ =	sdelay $0x4  }
0x78: {  	v57 =	vshrl.u32 v3, $0x3  }
0x79: {  	v4 =	vmul.u32 $0x30, v57  }
0x7a: {  	v3 =	vand.u32 $0x7, v3  }
0x7b: {  	v3 =	vor.u32 v3, v4  }
0x7c: {  	v4 =	vperm.xlane v3, v0;
	_ =	sdelay $0x1  }
0x7d: {  	v4 =	vadd.s32 v1, v4;
	_ =	sdelay $0x3  }
0x7e: {  	s21 =	simm.s32 $0xF100;
	v3 =	vperm.xlane v3, v2  }
0x7f: {  	[tilespmem:s21], [sflag:$0x1] =	stream.indirect_vreg.gather [hbm4b:s2+s3], $0x80, v4, vm0, $0xb8;
	[tilespmem:$0x12100] =	vst v63  }
0x80: {  	v3 =	vadd.s32 v1, v3;
	s21 =	simm.s32 $0xF900  }
0x81: {  	[tilespmem:s21], [sflag:$0x1] =	stream.indirect_vreg.gather [hbm4b:s4+s3], $0x80, v4, vm0, $0xb8;
	[tilespmem:$0x12100] =	vst v63  }
0x82: {  	s21 =	simm.s32 $0x10100  }
0x83: {  	[tilespmem:s21], [sflag:$0x1] =	stream.indirect_vreg.gather [hbm4b:s5+s3], $0x80, v4, vm0, $0xb8;
	[tilespmem:$0x12100] =	vst v63  }
0x84: {  	s21 =	simm.s32 $0x10900  }
0x85: {  	[tilespmem:s21], [sflag:$0x1] =	stream.indirect_vreg.gather [hbm4b:s2+s3], $0x80, v3, vm0, $0xb8;
	[tilespmem:$0x12100] =	vst v63  }
0x86: {  	s21 =	simm.s32 $0x11100  }
0x87: {  	[tilespmem:s21], [sflag:$0x1] =	stream.indirect_vreg.gather [hbm4b:s4+s3], $0x80, v3, vm0, $0xb8;
	[tilespmem:$0x12100] =	vst v63  }
0x88: {  	s21 =	simm.s32 $0x11900  }
0x89: {  	[tilespmem:s21], [sflag:$0x1] =	stream.indirect_vreg.gather [hbm4b:s5+s3], $0x80, v3, vm0, $0xb8;
	[tilespmem:$0x12100] =	vst v63  }
0x8a: {  	_ =	swait.ge [sflag:s20], $0x12000  }
0x8b: {  	[sflag:s20] =	ssyncset.done $0x0  }
0x8c: {  	s0 =	simm.s32 $0x100;
	s21 =	rddreg [dreg:$0x5];
	[sflag:s20] =	ssyncadd.s32 $0xFFFEE000  }
0x8d: {  	[hbm4b:s21+s3] =	stream.linear.scatter [tilespmem:s0], [sflag:$0x2], $0x12000, $0x38;
	[tilespmem:$0x12100] =	vst v63  }
0x8e: {  	_ =	swait.ge [sflag:s7], $0x12000  }
0x8f: {  	[sflag:s7] =	ssyncset.done $0x0  }
0x90: {  	[sflag:s7] =	ssyncadd.s32 $0xFFFEE000  }
0x91: {  	v3 =	vld [tilespmem:$0x60];
	_ =	sdelay $0x4  }
0x92: {  	v58 =	vshrl.u32 v3, $0x3  }
0x93: {  	v4 =	vmul.u32 $0x30, v58  }
0x94: {  	v3 =	vand.u32 $0x7, v3  }
0x95: {  	v3 =	vor.u32 v3, v4  }
0x96: {  	v4 =	vperm.xlane v3, v0;
	_ =	sdelay $0x1  }
0x97: {  	v4 =	vadd.s32 v1, v4;
	_ =	sdelay $0x3  }
0x98: {  	v3 =	vperm.xlane v3, v2  }
0x99: {  	[tilespmem:s0], [sflag:$0x1] =	stream.indirect_vreg.gather [hbm4b:s2+s3], $0x80, v4, vm0, $0xb8;
	[tilespmem:$0x12100] =	vst v63  }
0x9a: {  	v3 =	vadd.s32 v1, v3  }
0x9b: {  	[tilespmem:s22], [sflag:$0x1] =	stream.indirect_vreg.gather [hbm4b:s4+s3], $0x80, v4, vm0, $0xb8;
	[tilespmem:$0x12100] =	vst v63  }
0x9c: {  	_ = 	snop  }
0x9d: {  	[tilespmem:s23], [sflag:$0x1] =	stream.indirect_vreg.gather [hbm4b:s5+s3], $0x80, v4, vm0, $0xb8;
	[tilespmem:$0x12100] =	vst v63  }
0x9e: {  	_ = 	snop  }
0x9f: {  	[tilespmem:s24], [sflag:$0x1] =	stream.indirect_vreg.gather [hbm4b:s2+s3], $0x80, v3, vm0, $0xb8;
	[tilespmem:$0x12100] =	vst v63  }
0xa0: {  	_ = 	snop  }
0xa1: {  	[tilespmem:s25], [sflag:$0x1] =	stream.indirect_vreg.gather [hbm4b:s4+s3], $0x80, v3, vm0, $0xb8;
	[tilespmem:$0x12100] =	vst v63  }
0xa2: {  	_ = 	snop  }
0xa3: {  	[tilespmem:s26], [sflag:$0x1] =	stream.indirect_vreg.gather [hbm4b:s5+s3], $0x80, v3, vm0, $0xb8;
	[tilespmem:$0x12100] =	vst v63  }
0xa4: {  	v3 =	vld [tilespmem:$0x70];
	_ =	sdelay $0x4  }
0xa5: {  	v59 =	vshrl.u32 v3, $0x3  }
0xa6: {  	v4 =	vmul.u32 $0x30, v59  }
0xa7: {  	v3 =	vand.u32 $0x7, v3  }
0xa8: {  	v3 =	vor.u32 v3, v4  }
0xa9: {  	v4 =	vperm.xlane v3, v0;
	_ =	sdelay $0x1  }
0xaa: {  	v4 =	vadd.s32 v1, v4;
	_ =	sdelay $0x3  }
0xab: {  	v3 =	vperm.xlane v3, v2  }
0xac: {  	[tilespmem:s28], [sflag:$0x1] =	stream.indirect_vreg.gather [hbm4b:s2+s3], $0x80, v4, vm0, $0xb8;
	[tilespmem:$0x12100] =	vst v63  }
0xad: {  	v3 =	vadd.s32 v1, v3  }
0xae: {  	[tilespmem:s29], [sflag:$0x1] =	stream.indirect_vreg.gather [hbm4b:s4+s3], $0x80, v4, vm0, $0xb8;
	[tilespmem:$0x12100] =	vst v63  }
0xaf: {  	_ = 	snop  }
0xb0: {  	[tilespmem:s30], [sflag:$0x1] =	stream.indirect_vreg.gather [hbm4b:s5+s3], $0x80, v4, vm0, $0xb8;
	[tilespmem:$0x12100] =	vst v63  }
0xb1: {  	_ = 	snop  }
0xb2: {  	[tilespmem:s31], [sflag:$0x1] =	stream.indirect_vreg.gather [hbm4b:s2+s3], $0x80, v3, vm0, $0xb8;
	[tilespmem:$0x12100] =	vst v63  }
0xb3: {  	_ = 	snop  }
0xb4: {  	[tilespmem:s1], [sflag:$0x1] =	stream.indirect_vreg.gather [hbm4b:s4+s3], $0x80, v3, vm0, $0xb8;
	[tilespmem:$0x12100] =	vst v63  }
0xb5: {  	s21 =	simm.s32 $0x5900  }
0xb6: {  	[tilespmem:s21], [sflag:$0x1] =	stream.indirect_vreg.gather [hbm4b:s5+s3], $0x80, v3, vm0, $0xb8;
	[tilespmem:$0x12100] =	vst v63  }
0xb7: {  	v3 =	vld [tilespmem:$0x80];
	_ =	sdelay $0x4  }
0xb8: {  	v60 =	vshrl.u32 v3, $0x3  }
0xb9: {  	v4 =	vmul.u32 $0x30, v60  }
0xba: {  	v3 =	vand.u32 $0x7, v3  }
0xbb: {  	v3 =	vor.u32 v3, v4  }
0xbc: {  	v4 =	vperm.xlane v3, v0;
	_ =	sdelay $0x1  }
0xbd: {  	v4 =	vadd.s32 v1, v4;
	_ =	sdelay $0x3  }
0xbe: {  	v3 =	vperm.xlane v3, v2  }
0xbf: {  	[tilespmem:s9], [sflag:$0x1] =	stream.indirect_vreg.gather [hbm4b:s2+s3], $0x80, v4, vm0, $0xb8;
	[tilespmem:$0x12100] =	vst v63  }
0xc0: {  	v3 =	vadd.s32 v1, v3  }
0xc1: {  	[tilespmem:s10], [sflag:$0x1] =	stream.indirect_vreg.gather [hbm4b:s4+s3], $0x80, v4, vm0, $0xb8;
	[tilespmem:$0x12100] =	vst v63  }
0xc2: {  	_ = 	snop  }
0xc3: {  	[tilespmem:s11], [sflag:$0x1] =	stream.indirect_vreg.gather [hbm4b:s5+s3], $0x80, v4, vm0, $0xb8;
	[tilespmem:$0x12100] =	vst v63  }
0xc4: {  	_ = 	snop  }
0xc5: {  	[tilespmem:s12], [sflag:$0x1] =	stream.indirect_vreg.gather [hbm4b:s2+s3], $0x80, v3, vm0, $0xb8;
	[tilespmem:$0x12100] =	vst v63  }
0xc6: {  	_ = 	snop  }
0xc7: {  	[tilespmem:s13], [sflag:$0x1] =	stream.indirect_vreg.gather [hbm4b:s4+s3], $0x80, v3, vm0, $0xb8;
	[tilespmem:$0x12100] =	vst v63  }
0xc8: {  	_ = 	snop  }
0xc9: {  	[tilespmem:s14], [sflag:$0x1] =	stream.indirect_vreg.gather [hbm4b:s5+s3], $0x80, v3, vm0, $0xb8;
	[tilespmem:$0x12100] =	vst v63  }
0xca: {  	v3 =	vld [tilespmem:$0x90];
	_ =	sdelay $0x4  }
0xcb: {  	v61 =	vshrl.u32 v3, $0x3  }
0xcc: {  	v4 =	vmul.u32 $0x30, v61  }
0xcd: {  	v3 =	vand.u32 $0x7, v3  }
0xce: {  	v3 =	vor.u32 v3, v4  }
0xcf: {  	v4 =	vperm.xlane v3, v0;
	_ =	sdelay $0x1  }
0xd0: {  	v4 =	vadd.s32 v1, v4;
	_ =	sdelay $0x3  }
0xd1: {  	v3 =	vperm.xlane v3, v2  }
0xd2: {  	[tilespmem:s15], [sflag:$0x1] =	stream.indirect_vreg.gather [hbm4b:s2+s3], $0x80, v4, vm0, $0xb8;
	[tilespmem:$0x12100] =	vst v63  }
0xd3: {  	v3 =	vadd.s32 v1, v3  }
0xd4: {  	[tilespmem:s16], [sflag:$0x1] =	stream.indirect_vreg.gather [hbm4b:s4+s3], $0x80, v4, vm0, $0xb8;
	[tilespmem:$0x12100] =	vst v63  }
0xd5: {  	_ = 	snop  }
0xd6: {  	[tilespmem:s17], [sflag:$0x1] =	stream.indirect_vreg.gather [hbm4b:s5+s3], $0x80, v4, vm0, $0xb8;
	[tilespmem:$0x12100] =	vst v63  }
0xd7: {  	_ = 	snop  }
0xd8: {  	[tilespmem:s18], [sflag:$0x1] =	stream.indirect_vreg.gather [hbm4b:s2+s3], $0x80, v3, vm0, $0xb8;
	[tilespmem:$0x12100] =	vst v63  }
0xd9: {  	_ = 	snop  }
0xda: {  	[tilespmem:s19], [sflag:$0x1] =	stream.indirect_vreg.gather [hbm4b:s4+s3], $0x80, v3, vm0, $0xb8;
	[tilespmem:$0x12100] =	vst v63  }
0xdb: {  	_ = 	snop  }
0xdc: {  	[tilespmem:s8], [sflag:$0x1] =	stream.indirect_vreg.gather [hbm4b:s5+s3], $0x80, v3, vm0, $0xb8;
	[tilespmem:$0x12100] =	vst v63  }
0xdd: {  	v3 =	vld [tilespmem:$0xA0];
	_ =	sdelay $0x4  }
0xde: {  	v62 =	vshrl.u32 v3, $0x3  }
0xdf: {  	v4 =	vmul.u32 $0x30, v62  }
0xe0: {  	v3 =	vand.u32 $0x7, v3  }
0xe1: {  	v3 =	vor.u32 v3, v4  }
0xe2: {  	v4 =	vperm.xlane v3, v0;
	_ =	sdelay $0x1  }
0xe3: {  	v4 =	vadd.s32 v1, v4;
	_ =	sdelay $0x3  }
0xe4: {  	s21 =	simm.s32 $0xC100;
	v3 =	vperm.xlane v3, v2  }
0xe5: {  	[tilespmem:s21], [sflag:$0x1] =	stream.indirect_vreg.gather [hbm4b:s2+s3], $0x80, v4, vm0, $0xb8;
	[tilespmem:$0x12100] =	vst v63  }
0xe6: {  	v3 =	vadd.s32 v1, v3;
	s21 =	simm.s32 $0xC900  }
0xe7: {  	[tilespmem:s21], [sflag:$0x1] =	stream.indirect_vreg.gather [hbm4b:s4+s3], $0x80, v4, vm0, $0xb8;
	[tilespmem:$0x12100] =	vst v63  }
0xe8: {  	s21 =	simm.s32 $0xD100  }
0xe9: {  	[tilespmem:s21], [sflag:$0x1] =	stream.indirect_vreg.gather [hbm4b:s5+s3], $0x80, v4, vm0, $0xb8;
	[tilespmem:$0x12100] =	vst v63  }
0xea: {  	s21 =	simm.s32 $0xD900  }
0xeb: {  	[tilespmem:s21], [sflag:$0x1] =	stream.indirect_vreg.gather [hbm4b:s2+s3], $0x80, v3, vm0, $0xb8;
	[tilespmem:$0x12100] =	vst v63  }
0xec: {  	s21 =	simm.s32 $0xE100  }
0xed: {  	[tilespmem:s21], [sflag:$0x1] =	stream.indirect_vreg.gather [hbm4b:s4+s3], $0x80, v3, vm0, $0xb8;
	[tilespmem:$0x12100] =	vst v63  }
0xee: {  	s21 =	simm.s32 $0xE900  }
0xef: {  	[tilespmem:s21], [sflag:$0x1] =	stream.indirect_vreg.gather [hbm4b:s5+s3], $0x80, v3, vm0, $0xb8;
	[tilespmem:$0x12100] =	vst v63  }
0xf0: {  	v3 =	vld [tilespmem:$0xB0];
	_ =	sdelay $0x4  }
0xf1: {  	v63 =	vshrl.u32 v3, $0x3  }
0xf2: {  	v4 =	vmul.u32 $0x30, v63  }
0xf3: {  	v3 =	vand.u32 $0x7, v3  }
0xf4: {  	v3 =	vor.u32 v3, v4  }
0xf5: {  	v4 =	vperm.xlane v3, v0;
	_ =	sdelay $0x1  }
0xf6: {  	v4 =	vadd.s32 v1, v4;
	_ =	sdelay $0x3  }
0xf7: {  	s21 =	simm.s32 $0xF100;
	v3 =	vperm.xlane v3, v2  }
0xf8: {  	[tilespmem:s21], [sflag:$0x1] =	stream.indirect_vreg.gather [hbm4b:s2+s3], $0x80, v4, vm0, $0xb8;
	[tilespmem:$0x12100] =	vst v63  }
0xf9: {  	v3 =	vadd.s32 v1, v3;
	s21 =	simm.s32 $0xF900  }
0xfa: {  	[tilespmem:s21], [sflag:$0x1] =	stream.indirect_vreg.gather [hbm4b:s4+s3], $0x80, v4, vm0, $0xb8;
	[tilespmem:$0x12100] =	vst v63  }
0xfb: {  	s21 =	simm.s32 $0x10100  }
0xfc: {  	[tilespmem:s21], [sflag:$0x1] =	stream.indirect_vreg.gather [hbm4b:s5+s3], $0x80, v4, vm0, $0xb8;
	[tilespmem:$0x12100] =	vst v63  }
0xfd: {  	s21 =	simm.s32 $0x10900  }
0xfe: {  	[tilespmem:s21], [sflag:$0x1] =	stream.indirect_vreg.gather [hbm4b:s2+s3], $0x80, v3, vm0, $0xb8;
	[tilespmem:$0x12100] =	vst v63  }
0xff: {  	s21 =	simm.s32 $0x11100  }
0x100: {  	[tilespmem:s21], [sflag:$0x1] =	stream.indirect_vreg.gather [hbm4b:s4+s3], $0x80, v3, vm0, $0xb8;
	[tilespmem:$0x12100] =	vst v63  }
0x101: {  	s21 =	simm.s32 $0x11900  }
0x102: {  	[tilespmem:s21], [sflag:$0x1] =	stream.indirect_vreg.gather [hbm4b:s5+s3], $0x80, v3, vm0, $0xb8;
	[tilespmem:$0x12100] =	vst v63  }
0x103: {  	_ =	swait.ge [sflag:s20], $0x12000  }
0x104: {  	p0 =	sne.s32 s6, $0x1;
	s0 =	simm.s32 $0x100;
	[sflag:s20] =	ssyncset.done $0x0  }
.Ltmp0:
0x105: {  	s21 =	rddreg [dreg:$0x6];
	[sflag:s20] =	ssyncadd.s32 $0xFFFEE000;
	(pc) =	sbr.rel @p0 .LBB2_1-.Ltmp0, $4  }
0x106: {  	[hbm4b:s21+s3] =	stream.linear.scatter [tilespmem:s0], [sflag:$0x2], $0x12000, $0x38;
	[tilespmem:$0x12100] =	vst v63  }
0x107: {  	_ =	swait.ge [sflag:s7], $0x12000  }
0x108: {  	[sflag:s7] =	ssyncset.done $0x0  }
0x109: {  	s6 =	sadd.s32 $0xFFFFFFFF, s6;
	[sflag:s7] =	ssyncadd.s32 $0xFFFEE000  }
0x10a: {  	_ =	sfence.sel $0x180000  }
0x10b: {  	[bflag:$0x0] =	sbarrier.arrive $0xFFFF  }
0x10c: {  	_ =	strace $0x90000047  }
0x10d: {  	s0 =	stileid.u32;
	[bflag:$0x2] =	sbarrier.arrive $0xFFFF  }
0x10e: {  	p0 =	sne.s32 s0, $0x0;
	s0 =	rddreg [dreg:$0x3]  }
0x10f: {  	s0 =	sadd.s32 @!p0 $0x100000, s0  }
0x110: {  	[sflag:s0] =	ssyncadd.tile.s32 @!p0 $0x1;
	_ =	shalt  }
.Lfunc_end2:
_tile_overlayer_lowered:
.L_overlay_start_2:
0x111: {  	(tag) =	ssettag $0x2  }
0x112: {  	s0 =	rddreg [dreg:$0x0];
	s2 =	stileid.u32  }
0x113: {  	s1 =	rddreg [dreg:$0x1];
	p0 =	sne.s32 s2, $0x0  }
0x114: {  	s3 =	rddreg [dreg:$0x2];
	[bflag:$0x3] =	sbarrier.arrive $0xFFFF;
	s2 =	simm.s32 @!p0 $0x1C02  }
0x115: {  	[timem:s3], [sflag:s2] =	dma.local @!p0 [hbm:s0], s1  }
0x116: {  	s0 =	simm.s32 @!p0 $0x2  }
0x117: {  	_ =	swait.ge @!p0 [sflag:s0], s1  }
0x118: {  	s1 =	ssub.s32 @!p0 $0x0, s1;
	[sflag:s0] =	ssyncset.done @!p0 $0x0  }
0x119: {  	[sflag:s0] =	ssyncadd.s32 @!p0 s1  }
0x11a: {  	[bflag:$0x3] =	sbarrier.arrive $0xFFFF  }
0x11b: {  	_ =	shalt  }

</sc_bundles>
